<compile_context>
chip_gen: v7x
topology: tpu7x:2x2x1
jax: 0.10.2.dev20260603
libtpu: 0.0.44.dev20260713+nightly
codegen_flags: <defaults>
</compile_context>

<pallas_src>
import functools

import jax
import jax.numpy as jnp
from jax import lax
from jax.experimental import pallas as pl
from jax.experimental.pallas import tpu as pltpu
from jax.experimental.pallas import tpu_sc as plsc

HIDDEN = 128
N_HW = 169
N_BKT = 23
N_ROWS = N_HW * N_BKT
N_ROWS_PAD = 3968
_GRID = 13


def _dot_nt(a, b):
    return lax.dot_general(a, b, (((1,), (1,)), ((), ())),
                           preferred_element_type=jnp.float32)


def _table_body(h_emb, w_emb, i_emb, t_emb, norm2d, proj_w, tab_ref):
    f32 = jnp.float32
    hb = tab_ref.shape[0]
    pid = pl.program_id(0)
    i = pid * hb + lax.broadcasted_iota(jnp.int32, (hb, 1), 0)
    valid = i >= 1
    hr = jnp.where(valid, (i - 1) // 7 + 1, 0)
    wd = jnp.where(valid, (i - 1) % 7 + 1, 0)
    iw = jnp.where(valid, jnp.where(wd >= 6, 2, 1), 0)

    oh_h = (hr == lax.broadcasted_iota(jnp.int32, (hb, 25), 1)).astype(f32)
    oh_w = (wd == lax.broadcasted_iota(jnp.int32, (hb, 8), 1)).astype(f32)
    oh_i = (iw == lax.broadcasted_iota(jnp.int32, (hb, 3), 1)).astype(f32)

    nrm = norm2d[...]
    prj = proj_w[...]
    t_sl = t_emb[0:N_BKT, :]
    Hp = _dot_nt(h_emb[...] * nrm[:, 8:16], prj[:, 8:16])
    Wp = _dot_nt(w_emb[...] * nrm[:, 0:8], prj[:, 0:8])
    Ip = _dot_nt(i_emb[...] * nrm[:, 16:18], prj[:, 16:18])
    Tp = _dot_nt(t_sl * nrm[:, 18:34], prj[:, 18:34])

    A = (jnp.dot(oh_w, Wp, preferred_element_type=f32)
         + jnp.dot(oh_h, Hp, preferred_element_type=f32)
         + jnp.dot(oh_i, Ip, preferred_element_type=f32))

    ss_h = jnp.sum(h_emb[...] * h_emb[...], axis=1, keepdims=True)
    ss_w = jnp.sum(w_emb[...] * w_emb[...], axis=1, keepdims=True)
    ss_i = jnp.sum(i_emb[...] * i_emb[...], axis=1, keepdims=True)
    ssA = (jnp.dot(oh_w, ss_w, preferred_element_type=f32)
           + jnp.dot(oh_h, ss_h, preferred_element_type=f32)
           + jnp.dot(oh_i, ss_i, preferred_element_type=f32))
    ssC = jnp.sum(t_sl * t_sl, axis=1, keepdims=True)

    eps = jnp.float32(jnp.finfo(jnp.float32).eps)
    mean_sq = (ssA.reshape(hb, 1, 1) + ssC.reshape(1, N_BKT, 1)) * jnp.float32(1.0 / 34.0)
    rms = lax.rsqrt(mean_sq + eps)
    tab_ref[...] = rms * (A.reshape(hb, 1, HIDDEN) + Tp.reshape(1, N_BKT, HIDDEN))


def _idx_body(ts_ref, t_ref, mk_ref, idx_ref):
    f32 = jnp.float32
    ts = ts_ref[...]
    m = ts != 0
    d1 = ts // 3600
    hour = d1 % 24 + 1
    weekday = (d1 // 24 + 4) % 7 + 1
    hw = jnp.where(m, (hour - 1) * 7 + weekday, 0)
    bf = jnp.floor(jnp.log1p(t_ref[...].astype(f32))).astype(jnp.int32)
    bucket = jnp.clip(bf, 0, 21) + 1
    bucket = jnp.where(mk_ref[...], bucket, 0)
    idx_ref[...] = hw * N_BKT + bucket


def _tc_prologue(timestamps, t_from_prev, mask_i32,
                 h_emb, w_emb, i_emb, t_emb, norm_w, proj_w):
    B, L = timestamps.shape
    hb = N_HW // _GRID
    full = lambda s: pl.BlockSpec(s, lambda p: (0,) * len(s))
    table = pl.pallas_call(
        _table_body,
        grid=(_GRID,),
        in_specs=[
            full((25, 8)), full((8, 8)), full((3, 2)), full((130, 16)),
            full((1, 34)), full((HIDDEN, 34)),
        ],
        out_specs=pl.BlockSpec((hb, N_BKT, HIDDEN), lambda p: (p, 0, 0)),
        out_shape=jax.ShapeDtypeStruct((N_HW, N_BKT, HIDDEN), jnp.float32),
    )(h_emb, w_emb, i_emb, t_emb, norm_w.reshape(1, 34), proj_w)
    table = jnp.pad(table.reshape(N_ROWS, HIDDEN),
                    ((0, N_ROWS_PAD - N_ROWS), (0, 0)))
    bb = B // 8
    dspec = pl.BlockSpec((bb, L), lambda p: (p, 0))
    idx = pl.pallas_call(
        _idx_body,
        grid=(8,),
        in_specs=[dspec, dspec, dspec],
        out_specs=dspec,
        out_shape=jax.ShapeDtypeStruct((B, L), jnp.int32),
    )(timestamps, t_from_prev, mask_i32)
    return idx.reshape(B * L), table


_CH = 128
_NBUF = 4


def _make_gather(n_rows):
    info = plsc.get_sparse_core_info()
    nsub = info.num_subcores
    nworkers = info.num_cores * nsub
    per_w = n_rows // nworkers
    steps = per_w // _CH
    stage_rows = N_ROWS_PAD // nsub
    assert steps % _NBUF == 0 and steps >= 2 * _NBUF
    mesh = plsc.VectorSubcoreMesh(core_axis_name="c", subcore_axis_name="s")

    @functools.partial(
        pl.kernel,
        mesh=mesh,
        out_type=jax.ShapeDtypeStruct((n_rows, HIDDEN), jnp.float32),
        scratch_types=(
            [pltpu.VMEM((per_w,), jnp.int32),
             pltpu.VMEM((_NBUF, _CH, HIDDEN), jnp.float32),
             pltpu.VMEM_SHARED((N_ROWS_PAD, HIDDEN), jnp.float32)]
            + [pltpu.SemaphoreType.DMA] * (2 * _NBUF)
        ),
    )
    def gather(table_hbm, idx_hbm, out_hbm, idx_v, rows_v, table_sp, *sems):
        sg, sw = sems[:_NBUF], sems[_NBUF:]
        sid = lax.axis_index("s")
        wid = sid * info.num_cores + lax.axis_index("c")
        base = wid * per_w

        srow = pl.multiple_of(sid * stage_rows, stage_rows)
        pltpu.sync_copy(table_hbm.at[pl.ds(srow, stage_rows)],
                        table_sp.at[pl.ds(srow, stage_rows)])
        pltpu.sync_copy(idx_hbm.at[pl.ds(base, per_w)], idx_v)
        plsc.subcore_barrier()

        def start_gather(g, b, sem):
            off = pl.multiple_of(g * _CH, _CH)
            pltpu.async_copy(table_sp.at[idx_v.at[pl.ds(off, _CH)]],
                             rows_v.at[b], sem)

        def start_write(g, b, sem):
            off = pl.multiple_of(base + g * _CH, _CH)
            pltpu.async_copy(rows_v.at[b], out_hbm.at[pl.ds(off, _CH)], sem)

        def wait_chunk(sem):
            pltpu.make_async_copy(out_hbm.at[pl.ds(0, _CH)], rows_v.at[0], sem).wait()

        for b in range(_NBUF):
            start_gather(b, b, sg[b])
        wait_chunk(sg[0])
        start_write(0, 0, sw[0])

        def outer(og, carry):
            for b in range(_NBUF):
                g = og * _NBUF + b
                wait_chunk(sw[b])
                start_gather(g, b, sg[b])
                b2 = (b + 1) % _NBUF
                wait_chunk(sg[b2])
                start_write(g - (_NBUF - 1), b2, sw[b2])
            return carry

        lax.fori_loop(1, steps // _NBUF, outer, 0)

        for j in range(steps - (_NBUF - 1), steps):
            b = j % _NBUF
            wait_chunk(sg[b])
            start_write(j, b, sw[b])
        for b in range(_NBUF):
            wait_chunk(sw[b])

    return gather


def kernel(timestamps, t_from_prev, mask, hour_emb, weekday_emb, isweekend_emb,
           t_from_prev_emb, norm_w, proj_w):
    B, L = timestamps.shape
    idx, table = _tc_prologue(timestamps, t_from_prev, mask,
                              hour_emb, weekday_emb, isweekend_emb,
                              t_from_prev_emb, norm_w, proj_w)
    out = _make_gather(B * L)(table, idx)
    return out.reshape(B, L, HIDDEN)

# --- scband reference (transcript-rebuilt; emitter-appended) ---
"""Pipeline reference for scband-time-emb-encoder-73229192397470 (READ-ONLY COPY).

The authoritative reference and input builder live on the scoring server;
editing this copy changes nothing except your own understanding.
"""

import jax, jax.numpy as jnp
import numpy as np

B, L = 4096, 200
NUM_BUCKETS = 128
HIDDEN = 128
CAT_DIM = 8 + 8 + 2 + 16  # 34


def setup_inputs(seed: int = 0) -> dict:
    key = jax.random.key(seed)
    ks = jax.random.split(key, 8)
    timestamps = jax.random.randint(ks[0], (B, L), 0, 2000000000, dtype=jnp.int32)
    t_from_prev = jax.random.randint(ks[1], (B, L), 0, 100000, dtype=jnp.int32)
    mask = jnp.ones((B, L), dtype=jnp.bool_)
    # learned parameters (padding_idx=0 rows zeroed, like torch Embedding padding_idx)
    hour_emb = (jax.random.normal(ks[2], (24 + 1, 8), dtype=jnp.float32) * 0.02).at[0].set(0.0)
    weekday_emb = (jax.random.normal(ks[3], (7 + 1, 8), dtype=jnp.float32) * 0.02).at[0].set(0.0)
    isweekend_emb = (jax.random.normal(ks[4], (2 + 1, 2), dtype=jnp.float32) * 0.02).at[0].set(0.0)
    t_from_prev_emb = (jax.random.normal(ks[5], (NUM_BUCKETS + 2, 16), dtype=jnp.float32) * 0.02).at[0].set(0.0)
    norm_w = jnp.ones((CAT_DIM,), dtype=jnp.float32)
    proj_w = jax.random.normal(ks[6], (HIDDEN, CAT_DIM), dtype=jnp.float32) * (1.0 / np.sqrt(CAT_DIM))
    return {
        "timestamps": timestamps,
        "t_from_prev": t_from_prev,
        "mask": mask,
        "hour_emb": hour_emb,
        "weekday_emb": weekday_emb,
        "isweekend_emb": isweekend_emb,
        "t_from_prev_emb": t_from_prev_emb,
        "norm_w": norm_w,
        "proj_w": proj_w,
    }


def reference(timestamps, t_from_prev, mask, hour_emb, weekday_emb, isweekend_emb, t_from_prev_emb, norm_w, proj_w):
    m = (timestamps != 0).astype(timestamps.dtype)
    hour = (timestamps // 3600 % 24 + 1)
    weekday = (timestamps // 86400 + 4) % 7 + 1
    isweekend = (weekday >= 6).astype(jnp.int32) + 1
    hour_idx = hour * m
    weekday_idx = weekday * m
    isweekend_idx = isweekend * m
    # embedding lookups (gather)
    h_e = jnp.take(hour_emb, hour_idx, axis=0)
    w_e = jnp.take(weekday_emb, weekday_idx, axis=0)
    iw_e = jnp.take(isweekend_emb, isweekend_idx, axis=0)
    # bucketization: floor(log1p(t)) clamped to [0, num_buckets], then +1; masked -> 0 (padding)
    buckets = jnp.floor(jnp.log1p(t_from_prev.astype(jnp.float32))).astype(jnp.int32)
    buckets = jnp.clip(buckets, 0, NUM_BUCKETS) + 1
    buckets = jnp.where(mask, buckets, jnp.zeros_like(buckets))
    t_e = jnp.take(t_from_prev_emb, buckets, axis=0)
    time_emb = jnp.concatenate([w_e, h_e, iw_e, t_e], axis=-1)
    # RMSNorm (torch default eps = finfo(dtype).eps)
    eps = jnp.finfo(jnp.float32).eps
    rms = jax.lax.rsqrt(jnp.mean(time_emb * time_emb, axis=-1, keepdims=True) + eps)
    time_emb = time_emb * rms * norm_w
    # Linear (no bias); dropout_rate=0.0 -> identity
    final_emb = time_emb @ proj_w.T
    return final_emb

if __name__ == "__main__":
    import jax
    _d = setup_inputs()
    print(jax.jit(kernel)(*tuple(_d.values())))

</pallas_src>

<mosaic_0001>
#map = affine_map<(d0, d1) -> (0, 0)>
#map1 = affine_map<(d0, d1) -> (0)>
module attributes {stable_mosaic.version = 14 : i64} {
  func.func @gather(%arg0: i32, %arg1: i32, %arg2: memref<3968x128xf32, #tpu.memory_space<hbm>>, %arg3: memref<819200xi32, #tpu.memory_space<hbm>>, %arg4: memref<819200x128xf32, #tpu.memory_space<hbm>>, %arg5: memref<25600xi32, #tpu.memory_space<vmem>>, %arg6: memref<4x128x128xf32, #tpu.memory_space<vmem>>, %arg7: memref<3968x128xf32, #tpu.memory_space<vmem_shared>>, %arg8: memref<!tpu.dma_semaphore, #tpu.memory_space<semaphore_mem>>, %arg9: memref<!tpu.dma_semaphore, #tpu.memory_space<semaphore_mem>>, %arg10: memref<!tpu.dma_semaphore, #tpu.memory_space<semaphore_mem>>, %arg11: memref<!tpu.dma_semaphore, #tpu.memory_space<semaphore_mem>>, %arg12: memref<!tpu.dma_semaphore, #tpu.memory_space<semaphore_mem>>, %arg13: memref<!tpu.dma_semaphore, #tpu.memory_space<semaphore_mem>>, %arg14: memref<!tpu.dma_semaphore, #tpu.memory_space<semaphore_mem>>, %arg15: memref<!tpu.dma_semaphore, #tpu.memory_space<semaphore_mem>>) attributes {dimension_semantics = [#tpu.dimension_semantics<core_parallel>, #tpu.dimension_semantics<subcore_parallel>], iteration_bounds = array<i64: 2, 16>, scalar_prefetch = 0 : i64, scratch_operands = 11 : i64, tpu.core_type = #tpu.core_type<sc_vector_subcore>, window_params = [{transform_indices = #map}, {transform_indices = #map1}, {transform_indices = #map}]} {
    %mul3A = arith.constant 2 : i32
    %mul3A_0 = arith.muli %arg1, %mul3A : i32
    %add3A = arith.addi %mul3A_0, %arg0 : i32
    %mul3A_1 = arith.constant 25600 : i32
    %mul3A_2 = arith.muli %add3A, %mul3A_1 : i32
    %mul3A_3 = arith.constant 248 : i32
    %mul3A_4 = arith.muli %arg1, %mul3A_3 : i32
    %multiple_of3A = tpu.assume_multiple %mul3A_4, 248 : i32
    "tpu.region"() ({
      %run_scoped3A = tpu.sem_alloc : memref<!tpu.dma_semaphore, #tpu.memory_space<semaphore_mem>>
      %dma_start3A_236 = arith.constant 0 : i32
      %dma_start3A_237 = tpu.memref_slice %arg7[%multiple_of3A, %dma_start3A_236] : memref<3968x128xf32, #tpu.memory_space<vmem_shared>> -> memref<248x128xf32, #tpu.memory_space<vmem_shared>>
      %dma_start3A_238 = arith.constant 0 : i32
      %dma_start3A_239 = tpu.memref_slice %arg2[%multiple_of3A, %dma_start3A_238] : memref<3968x128xf32, #tpu.memory_space<hbm>> -> memref<248x128xf32, #tpu.memory_space<hbm>>
      tpu.enqueue_dma source(%dma_start3A_239 : memref<248x128xf32, #tpu.memory_space<hbm>>) target(%dma_start3A_237 : memref<248x128xf32, #tpu.memory_space<vmem_shared>>) target_semaphore(%run_scoped3A : memref<!tpu.dma_semaphore, #tpu.memory_space<semaphore_mem>>)
      %dma_wait3A_240 = arith.constant 0 : i32
      %dma_wait3A_241 = tpu.memref_slice %arg7[%multiple_of3A, %dma_wait3A_240] : memref<3968x128xf32, #tpu.memory_space<vmem_shared>> -> memref<248x128xf32, #tpu.memory_space<vmem_shared>>
      %dma_wait3A_242 = arith.constant 0 : i32
      %dma_wait3A_243 = tpu.memref_slice %arg2[%multiple_of3A, %dma_wait3A_242] : memref<3968x128xf32, #tpu.memory_space<hbm>> -> memref<248x128xf32, #tpu.memory_space<hbm>>
      tpu.wait_dma2 semaphore(%run_scoped3A : memref<!tpu.dma_semaphore, #tpu.memory_space<semaphore_mem>>) src(%dma_wait3A_243 : memref<248x128xf32, #tpu.memory_space<hbm>>) dst(%dma_wait3A_241 : memref<248x128xf32, #tpu.memory_space<vmem_shared>>)
      tpu.yield
    }) : () -> ()
    "tpu.region"() ({
      %run_scoped3A = tpu.sem_alloc : memref<!tpu.dma_semaphore, #tpu.memory_space<semaphore_mem>>
      %dma_start3A_236 = tpu.memref_slice %arg3[%mul3A_2] : memref<819200xi32, #tpu.memory_space<hbm>> -> memref<25600xi32, #tpu.memory_space<hbm>>
      %dma_start3A_237 = tpu.memref_slice %arg3[%mul3A_2] : memref<819200xi32, #tpu.memory_space<hbm>> -> memref<25600xi32, #tpu.memory_space<hbm>>
      tpu.enqueue_dma source(%dma_start3A_237 : memref<25600xi32, #tpu.memory_space<hbm>>) target(%arg5 : memref<25600xi32, #tpu.memory_space<vmem>>) target_semaphore(%run_scoped3A : memref<!tpu.dma_semaphore, #tpu.memory_space<semaphore_mem>>)
      %dma_wait3A_238 = tpu.memref_slice %arg3[%mul3A_2] : memref<819200xi32, #tpu.memory_space<hbm>> -> memref<25600xi32, #tpu.memory_space<hbm>>
      %dma_wait3A_239 = tpu.memref_slice %arg3[%mul3A_2] : memref<819200xi32, #tpu.memory_space<hbm>> -> memref<25600xi32, #tpu.memory_space<hbm>>
      tpu.wait_dma2 semaphore(%run_scoped3A : memref<!tpu.dma_semaphore, #tpu.memory_space<semaphore_mem>>) src(%dma_wait3A_239 : memref<25600xi32, #tpu.memory_space<hbm>>) dst(%arg5 : memref<25600xi32, #tpu.memory_space<vmem>>)
      tpu.yield
    }) : () -> ()
    %barrier3A = arith.constant 0 : index
    tpu.barrier barrier_id(%barrier3A)
    %multiple_of3A_5 = arith.constant 0 : i32
    %multiple_of3A_6 = tpu.assume_multiple %multiple_of3A_5, 128 : i32
    %dma_start3A = arith.constant 0 : i32
    %dma_start3A_7 = arith.constant 0 : i32
    %dma_start3A_8 = arith.constant 0 : i32
    %dma_start3A_9 = tpu.memref_slice %arg6[%dma_start3A, %dma_start3A_7, %dma_start3A_8] : memref<4x128x128xf32, #tpu.memory_space<vmem>> -> memref<1x128x128xf32, #tpu.memory_space<vmem>>
    %dma_start3A_10 = tpu.memref_squeeze %dma_start3A_9 : memref<1x128x128xf32, #tpu.memory_space<vmem>> -> memref<128x128xf32, #tpu.memory_space<vmem>>
    %dma_start3A_11 = tpu.memref_slice %arg5[%multiple_of3A_6] : memref<25600xi32, #tpu.memory_space<vmem>> -> memref<128xi32, #tpu.memory_space<vmem>>
    %dma_start3A_12 = arith.constant 0 : i32
    %dma_start3A_13 = arith.constant 0 : i32
    %dma_start3A_14 = tpu.memref_slice %arg7[%dma_start3A_12, %dma_start3A_13] : memref<3968x128xf32, #tpu.memory_space<vmem_shared>> -> memref<3968x128xf32, #tpu.memory_space<vmem_shared>>
    tpu.enqueue_indirect_dma source(%dma_start3A_14 : memref<3968x128xf32, #tpu.memory_space<vmem_shared>>) target(%dma_start3A_10 : memref<128x128xf32, #tpu.memory_space<vmem>>) offsets(%dma_start3A_11 : memref<128xi32, #tpu.memory_space<vmem>>) semaphore(%arg8 : memref<!tpu.dma_semaphore, #tpu.memory_space<semaphore_mem>>)
    %multiple_of3A_15 = arith.constant 128 : i32
    %multiple_of3A_16 = tpu.assume_multiple %multiple_of3A_15, 128 : i32
    %dma_start3A_17 = arith.constant 1 : i32
    %dma_start3A_18 = arith.constant 0 : i32
    %dma_start3A_19 = arith.constant 0 : i32
    %dma_start3A_20 = tpu.memref_slice %arg6[%dma_start3A_17, %dma_start3A_18, %dma_start3A_19] : memref<4x128x128xf32, #tpu.memory_space<vmem>> -> memref<1x128x128xf32, #tpu.memory_space<vmem>>
    %dma_start3A_21 = tpu.memref_squeeze %dma_start3A_20 : memref<1x128x128xf32, #tpu.memory_space<vmem>> -> memref<128x128xf32, #tpu.memory_space<vmem>>
    %dma_start3A_22 = tpu.memref_slice %arg5[%multiple_of3A_16] : memref<25600xi32, #tpu.memory_space<vmem>> -> memref<128xi32, #tpu.memory_space<vmem>>
    %dma_start3A_23 = arith.constant 0 : i32
    %dma_start3A_24 = arith.constant 0 : i32
    %dma_start3A_25 = tpu.memref_slice %arg7[%dma_start3A_23, %dma_start3A_24] : memref<3968x128xf32, #tpu.memory_space<vmem_shared>> -> memref<3968x128xf32, #tpu.memory_space<vmem_shared>>
    tpu.enqueue_indirect_dma source(%dma_start3A_25 : memref<3968x128xf32, #tpu.memory_space<vmem_shared>>) target(%dma_start3A_21 : memref<128x128xf32, #tpu.memory_space<vmem>>) offsets(%dma_start3A_22 : memref<128xi32, #tpu.memory_space<vmem>>) semaphore(%arg9 : memref<!tpu.dma_semaphore, #tpu.memory_space<semaphore_mem>>)
    %multiple_of3A_26 = arith.constant 256 : i32
    %multiple_of3A_27 = tpu.assume_multiple %multiple_of3A_26, 128 : i32
    %dma_start3A_28 = arith.constant 2 : i32
    %dma_start3A_29 = arith.constant 0 : i32
    %dma_start3A_30 = arith.constant 0 : i32
    %dma_start3A_31 = tpu.memref_slice %arg6[%dma_start3A_28, %dma_start3A_29, %dma_start3A_30] : memref<4x128x128xf32, #tpu.memory_space<vmem>> -> memref<1x128x128xf32, #tpu.memory_space<vmem>>
    %dma_start3A_32 = tpu.memref_squeeze %dma_start3A_31 : memref<1x128x128xf32, #tpu.memory_space<vmem>> -> memref<128x128xf32, #tpu.memory_space<vmem>>
    %dma_start3A_33 = tpu.memref_slice %arg5[%multiple_of3A_27] : memref<25600xi32, #tpu.memory_space<vmem>> -> memref<128xi32, #tpu.memory_space<vmem>>
    %dma_start3A_34 = arith.constant 0 : i32
    %dma_start3A_35 = arith.constant 0 : i32
    %dma_start3A_36 = tpu.memref_slice %arg7[%dma_start3A_34, %dma_start3A_35] : memref<3968x128xf32, #tpu.memory_space<vmem_shared>> -> memref<3968x128xf32, #tpu.memory_space<vmem_shared>>
    tpu.enqueue_indirect_dma source(%dma_start3A_36 : memref<3968x128xf32, #tpu.memory_space<vmem_shared>>) target(%dma_start3A_32 : memref<128x128xf32, #tpu.memory_space<vmem>>) offsets(%dma_start3A_33 : memref<128xi32, #tpu.memory_space<vmem>>) semaphore(%arg10 : memref<!tpu.dma_semaphore, #tpu.memory_space<semaphore_mem>>)
    %multiple_of3A_37 = arith.constant 384 : i32
    %multiple_of3A_38 = tpu.assume_multiple %multiple_of3A_37, 128 : i32
    %dma_start3A_39 = arith.constant 3 : i32
    %dma_start3A_40 = arith.constant 0 : i32
    %dma_start3A_41 = arith.constant 0 : i32
    %dma_start3A_42 = tpu.memref_slice %arg6[%dma_start3A_39, %dma_start3A_40, %dma_start3A_41] : memref<4x128x128xf32, #tpu.memory_space<vmem>> -> memref<1x128x128xf32, #tpu.memory_space<vmem>>
    %dma_start3A_43 = tpu.memref_squeeze %dma_start3A_42 : memref<1x128x128xf32, #tpu.memory_space<vmem>> -> memref<128x128xf32, #tpu.memory_space<vmem>>
    %dma_start3A_44 = tpu.memref_slice %arg5[%multiple_of3A_38] : memref<25600xi32, #tpu.memory_space<vmem>> -> memref<128xi32, #tpu.memory_space<vmem>>
    %dma_start3A_45 = arith.constant 0 : i32
    %dma_start3A_46 = arith.constant 0 : i32
    %dma_start3A_47 = tpu.memref_slice %arg7[%dma_start3A_45, %dma_start3A_46] : memref<3968x128xf32, #tpu.memory_space<vmem_shared>> -> memref<3968x128xf32, #tpu.memory_space<vmem_shared>>
    tpu.enqueue_indirect_dma source(%dma_start3A_47 : memref<3968x128xf32, #tpu.memory_space<vmem_shared>>) target(%dma_start3A_43 : memref<128x128xf32, #tpu.memory_space<vmem>>) offsets(%dma_start3A_44 : memref<128xi32, #tpu.memory_space<vmem>>) semaphore(%arg11 : memref<!tpu.dma_semaphore, #tpu.memory_space<semaphore_mem>>)
    %dma_wait3A = arith.constant 0 : i32
    %dma_wait3A_48 = arith.constant 0 : i32
    %dma_wait3A_49 = arith.constant 0 : i32
    %dma_wait3A_50 = tpu.memref_slice %arg6[%dma_wait3A, %dma_wait3A_48, %dma_wait3A_49] : memref<4x128x128xf32, #tpu.memory_space<vmem>> -> memref<1x128x128xf32, #tpu.memory_space<vmem>>
    %dma_wait3A_51 = tpu.memref_squeeze %dma_wait3A_50 : memref<1x128x128xf32, #tpu.memory_space<vmem>> -> memref<128x128xf32, #tpu.memory_space<vmem>>
    %dma_wait3A_52 = arith.constant 0 : i32
    %dma_wait3A_53 = arith.constant 0 : i32
    %dma_wait3A_54 = tpu.memref_slice %arg4[%dma_wait3A_52, %dma_wait3A_53] : memref<819200x128xf32, #tpu.memory_space<hbm>> -> memref<128x128xf32, #tpu.memory_space<hbm>>
    %dma_wait3A_55 = arith.constant 0 : i32
    %dma_wait3A_56 = arith.constant 0 : i32
    %dma_wait3A_57 = tpu.memref_slice %arg6[%dma_wait3A, %dma_wait3A_55, %dma_wait3A_56] : memref<4x128x128xf32, #tpu.memory_space<vmem>> -> memref<1x128x128xf32, #tpu.memory_space<vmem>>
    %dma_wait3A_58 = tpu.memref_squeeze %dma_wait3A_57 : memref<1x128x128xf32, #tpu.memory_space<vmem>> -> memref<128x128xf32, #tpu.memory_space<vmem>>
    %dma_wait3A_59 = arith.constant 0 : i32
    %dma_wait3A_60 = arith.constant 0 : i32
    %dma_wait3A_61 = tpu.memref_slice %arg4[%dma_wait3A_59, %dma_wait3A_60] : memref<819200x128xf32, #tpu.memory_space<hbm>> -> memref<128x128xf32, #tpu.memory_space<hbm>>
    tpu.wait_dma2 semaphore(%arg8 : memref<!tpu.dma_semaphore, #tpu.memory_space<semaphore_mem>>) src(%dma_wait3A_61 : memref<128x128xf32, #tpu.memory_space<hbm>>) dst(%dma_wait3A_58 : memref<128x128xf32, #tpu.memory_space<vmem>>)
    %add3A_62 = arith.constant 0 : i32
    %add3A_63 = arith.addi %mul3A_2, %add3A_62 : i32
    %multiple_of3A_64 = tpu.assume_multiple %add3A_63, 128 : i32
    %dma_start3A_65 = arith.constant 0 : i32
    %dma_start3A_66 = arith.constant 0 : i32
    %dma_start3A_67 = arith.constant 0 : i32
    %dma_start3A_68 = tpu.memref_slice %arg6[%dma_start3A_65, %dma_start3A_66, %dma_start3A_67] : memref<4x128x128xf32, #tpu.memory_space<vmem>> -> memref<1x128x128xf32, #tpu.memory_space<vmem>>
    %dma_start3A_69 = tpu.memref_squeeze %dma_start3A_68 : memref<1x128x128xf32, #tpu.memory_space<vmem>> -> memref<128x128xf32, #tpu.memory_space<vmem>>
    %dma_start3A_70 = arith.constant 0 : i32
    %dma_start3A_71 = tpu.memref_slice %arg4[%multiple_of3A_64, %dma_start3A_70] : memref<819200x128xf32, #tpu.memory_space<hbm>> -> memref<128x128xf32, #tpu.memory_space<hbm>>
    %dma_start3A_72 = arith.constant 0 : i32
    %dma_start3A_73 = tpu.memref_slice %arg4[%multiple_of3A_64, %dma_start3A_72] : memref<819200x128xf32, #tpu.memory_space<hbm>> -> memref<128x128xf32, #tpu.memory_space<hbm>>
    %dma_start3A_74 = arith.constant 0 : i32
    %dma_start3A_75 = arith.constant 0 : i32
    %dma_start3A_76 = tpu.memref_slice %arg6[%dma_start3A_65, %dma_start3A_74, %dma_start3A_75] : memref<4x128x128xf32, #tpu.memory_space<vmem>> -> memref<1x128x128xf32, #tpu.memory_space<vmem>>
    %dma_start3A_77 = tpu.memref_squeeze %dma_start3A_76 : memref<1x128x128xf32, #tpu.memory_space<vmem>> -> memref<128x128xf32, #tpu.memory_space<vmem>>
    tpu.enqueue_dma source(%dma_start3A_77 : memref<128x128xf32, #tpu.memory_space<vmem>>) target(%dma_start3A_73 : memref<128x128xf32, #tpu.memory_space<hbm>>) target_semaphore(%arg12 : memref<!tpu.dma_semaphore, #tpu.memory_space<semaphore_mem>>)
    %scan3A = arith.constant 0 : i32
    %scan3A_78 = arith.constant 1 : i32
    %scan3A_79 = arith.constant 49 : i32
    %scan3A_80 = arith.addi %scan3A_78, %scan3A_79 : i32
    %scan3A_81 = arith.constant 1 : i32
    scf.for %scan3A_236 = %scan3A_78 to %scan3A_80 step %scan3A_81  : i32 {
      %mul3A_237 = arith.constant 4 : i32
      %mul3A_238 = arith.muli %scan3A_236, %mul3A_237 : i32
      %add3A_239 = arith.constant 0 : i32
      %add3A_240 = arith.addi %mul3A_238, %add3A_239 : i32
      %dma_wait3A_241 = arith.constant 0 : i32
      %dma_wait3A_242 = arith.constant 0 : i32
      %dma_wait3A_243 = arith.constant 0 : i32
      %dma_wait3A_244 = tpu.memref_slice %arg6[%dma_wait3A_241, %dma_wait3A_242, %dma_wait3A_243] : memref<4x128x128xf32, #tpu.memory_space<vmem>> -> memref<1x128x128xf32, #tpu.memory_space<vmem>>
      %dma_wait3A_245 = tpu.memref_squeeze %dma_wait3A_244 : memref<1x128x128xf32, #tpu.memory_space<vmem>> -> memref<128x128xf32, #tpu.memory_space<vmem>>
      %dma_wait3A_246 = arith.constant 0 : i32
      %dma_wait3A_247 = arith.constant 0 : i32
      %dma_wait3A_248 = tpu.memref_slice %arg4[%dma_wait3A_246, %dma_wait3A_247] : memref<819200x128xf32, #tpu.memory_space<hbm>> -> memref<128x128xf32, #tpu.memory_space<hbm>>
      %dma_wait3A_249 = arith.constant 0 : i32
      %dma_wait3A_250 = arith.constant 0 : i32
      %dma_wait3A_251 = tpu.memref_slice %arg6[%dma_wait3A_241, %dma_wait3A_249, %dma_wait3A_250] : memref<4x128x128xf32, #tpu.memory_space<vmem>> -> memref<1x128x128xf32, #tpu.memory_space<vmem>>
      %dma_wait3A_252 = tpu.memref_squeeze %dma_wait3A_251 : memref<1x128x128xf32, #tpu.memory_space<vmem>> -> memref<128x128xf32, #tpu.memory_space<vmem>>
      %dma_wait3A_253 = arith.constant 0 : i32
      %dma_wait3A_254 = arith.constant 0 : i32
      %dma_wait3A_255 = tpu.memref_slice %arg4[%dma_wait3A_253, %dma_wait3A_254] : memref<819200x128xf32, #tpu.memory_space<hbm>> -> memref<128x128xf32, #tpu.memory_space<hbm>>
      tpu.wait_dma2 semaphore(%arg12 : memref<!tpu.dma_semaphore, #tpu.memory_space<semaphore_mem>>) src(%dma_wait3A_255 : memref<128x128xf32, #tpu.memory_space<hbm>>) dst(%dma_wait3A_252 : memref<128x128xf32, #tpu.memory_space<vmem>>)
      %mul3A_256 = arith.constant 128 : i32
      %mul3A_257 = arith.muli %add3A_240, %mul3A_256 : i32
      %multiple_of3A_258 = tpu.assume_multiple %mul3A_257, 128 : i32
      %dma_start3A_259 = arith.constant 0 : i32
      %dma_start3A_260 = arith.constant 0 : i32
      %dma_start3A_261 = arith.constant 0 : i32
      %dma_start3A_262 = tpu.memref_slice %arg6[%dma_start3A_259, %dma_start3A_260, %dma_start3A_261] : memref<4x128x128xf32, #tpu.memory_space<vmem>> -> memref<1x128x128xf32, #tpu.memory_space<vmem>>
      %dma_start3A_263 = tpu.memref_squeeze %dma_start3A_262 : memref<1x128x128xf32, #tpu.memory_space<vmem>> -> memref<128x128xf32, #tpu.memory_space<vmem>>
      %dma_start3A_264 = tpu.memref_slice %arg5[%multiple_of3A_258] : memref<25600xi32, #tpu.memory_space<vmem>> -> memref<128xi32, #tpu.memory_space<vmem>>
      %dma_start3A_265 = arith.constant 0 : i32
      %dma_start3A_266 = arith.constant 0 : i32
      %dma_start3A_267 = tpu.memref_slice %arg7[%dma_start3A_265, %dma_start3A_266] : memref<3968x128xf32, #tpu.memory_space<vmem_shared>> -> memref<3968x128xf32, #tpu.memory_space<vmem_shared>>
      tpu.enqueue_indirect_dma source(%dma_start3A_267 : memref<3968x128xf32, #tpu.memory_space<vmem_shared>>) target(%dma_start3A_263 : memref<128x128xf32, #tpu.memory_space<vmem>>) offsets(%dma_start3A_264 : memref<128xi32, #tpu.memory_space<vmem>>) semaphore(%arg8 : memref<!tpu.dma_semaphore, #tpu.memory_space<semaphore_mem>>)
      %dma_wait3A_268 = arith.constant 0 : i32
      %dma_wait3A_269 = arith.constant 0 : i32
      %dma_wait3A_270 = arith.constant 0 : i32
      %dma_wait3A_271 = tpu.memref_slice %arg6[%dma_wait3A_268, %dma_wait3A_269, %dma_wait3A_270] : memref<4x128x128xf32, #tpu.memory_space<vmem>> -> memref<1x128x128xf32, #tpu.memory_space<vmem>>
      %dma_wait3A_272 = tpu.memref_squeeze %dma_wait3A_271 : memref<1x128x128xf32, #tpu.memory_space<vmem>> -> memref<128x128xf32, #tpu.memory_space<vmem>>
      %dma_wait3A_273 = arith.constant 0 : i32
      %dma_wait3A_274 = arith.constant 0 : i32
      %dma_wait3A_275 = tpu.memref_slice %arg4[%dma_wait3A_273, %dma_wait3A_274] : memref<819200x128xf32, #tpu.memory_space<hbm>> -> memref<128x128xf32, #tpu.memory_space<hbm>>
      %dma_wait3A_276 = arith.constant 0 : i32
      %dma_wait3A_277 = arith.constant 0 : i32
      %dma_wait3A_278 = tpu.memref_slice %arg6[%dma_wait3A_268, %dma_wait3A_276, %dma_wait3A_277] : memref<4x128x128xf32, #tpu.memory_space<vmem>> -> memref<1x128x128xf32, #tpu.memory_space<vmem>>
      %dma_wait3A_279 = tpu.memref_squeeze %dma_wait3A_278 : memref<1x128x128xf32, #tpu.memory_space<vmem>> -> memref<128x128xf32, #tpu.memory_space<vmem>>
      %dma_wait3A_280 = arith.constant 0 : i32
      %dma_wait3A_281 = arith.constant 0 : i32
      %dma_wait3A_282 = tpu.memref_slice %arg4[%dma_wait3A_280, %dma_wait3A_281] : memref<819200x128xf32, #tpu.memory_space<hbm>> -> memref<128x128xf32, #tpu.memory_space<hbm>>
      tpu.wait_dma2 semaphore(%arg9 : memref<!tpu.dma_semaphore, #tpu.memory_space<semaphore_mem>>) src(%dma_wait3A_282 : memref<128x128xf32, #tpu.memory_space<hbm>>) dst(%dma_wait3A_279 : memref<128x128xf32, #tpu.memory_space<vmem>>)
      %sub3A = arith.constant 3 : i32
      %sub3A_283 = arith.subi %add3A_240, %sub3A : i32
      %mul3A_284 = arith.constant 128 : i32
      %mul3A_285 = arith.muli %sub3A_283, %mul3A_284 : i32
      %add3A_286 = arith.addi %mul3A_2, %mul3A_285 : i32
      %multiple_of3A_287 = tpu.assume_multiple %add3A_286, 128 : i32
      %dma_start3A_288 = arith.constant 1 : i32
      %dma_start3A_289 = arith.constant 0 : i32
      %dma_start3A_290 = arith.constant 0 : i32
      %dma_start3A_291 = tpu.memref_slice %arg6[%dma_start3A_288, %dma_start3A_289, %dma_start3A_290] : memref<4x128x128xf32, #tpu.memory_space<vmem>> -> memref<1x128x128xf32, #tpu.memory_space<vmem>>
      %dma_start3A_292 = tpu.memref_squeeze %dma_start3A_291 : memref<1x128x128xf32, #tpu.memory_space<vmem>> -> memref<128x128xf32, #tpu.memory_space<vmem>>
      %dma_start3A_293 = arith.constant 0 : i32
      %dma_start3A_294 = tpu.memref_slice %arg4[%multiple_of3A_287, %dma_start3A_293] : memref<819200x128xf32, #tpu.memory_space<hbm>> -> memref<128x128xf32, #tpu.memory_space<hbm>>
      %dma_start3A_295 = arith.constant 0 : i32
      %dma_start3A_296 = tpu.memref_slice %arg4[%multiple_of3A_287, %dma_start3A_295] : memref<819200x128xf32, #tpu.memory_space<hbm>> -> memref<128x128xf32, #tpu.memory_space<hbm>>
      %dma_start3A_297 = arith.constant 0 : i32
      %dma_start3A_298 = arith.constant 0 : i32
      %dma_start3A_299 = tpu.memref_slice %arg6[%dma_start3A_288, %dma_start3A_297, %dma_start3A_298] : memref<4x128x128xf32, #tpu.memory_space<vmem>> -> memref<1x128x128xf32, #tpu.memory_space<vmem>>
      %dma_start3A_300 = tpu.memref_squeeze %dma_start3A_299 : memref<1x128x128xf32, #tpu.memory_space<vmem>> -> memref<128x128xf32, #tpu.memory_space<vmem>>
      tpu.enqueue_dma source(%dma_start3A_300 : memref<128x128xf32, #tpu.memory_space<vmem>>) target(%dma_start3A_296 : memref<128x128xf32, #tpu.memory_space<hbm>>) target_semaphore(%arg13 : memref<!tpu.dma_semaphore, #tpu.memory_space<semaphore_mem>>)
      %mul3A_301 = arith.constant 4 : i32
      %mul3A_302 = arith.muli %scan3A_236, %mul3A_301 : i32
      %add3A_303 = arith.constant 1 : i32
      %add3A_304 = arith.addi %mul3A_302, %add3A_303 : i32
      %dma_wait3A_305 = arith.constant 0 : i32
      %dma_wait3A_306 = arith.constant 0 : i32
      %dma_wait3A_307 = arith.constant 0 : i32
      %dma_wait3A_308 = tpu.memref_slice %arg6[%dma_wait3A_305, %dma_wait3A_306, %dma_wait3A_307] : memref<4x128x128xf32, #tpu.memory_space<vmem>> -> memref<1x128x128xf32, #tpu.memory_space<vmem>>
      %dma_wait3A_309 = tpu.memref_squeeze %dma_wait3A_308 : memref<1x128x128xf32, #tpu.memory_space<vmem>> -> memref<128x128xf32, #tpu.memory_space<vmem>>
      %dma_wait3A_310 = arith.constant 0 : i32
      %dma_wait3A_311 = arith.constant 0 : i32
      %dma_wait3A_312 = tpu.memref_slice %arg4[%dma_wait3A_310, %dma_wait3A_311] : memref<819200x128xf32, #tpu.memory_space<hbm>> -> memref<128x128xf32, #tpu.memory_space<hbm>>
      %dma_wait3A_313 = arith.constant 0 : i32
      %dma_wait3A_314 = arith.constant 0 : i32
      %dma_wait3A_315 = tpu.memref_slice %arg6[%dma_wait3A_305, %dma_wait3A_313, %dma_wait3A_314] : memref<4x128x128xf32, #tpu.memory_space<vmem>> -> memref<1x128x128xf32, #tpu.memory_space<vmem>>
      %dma_wait3A_316 = tpu.memref_squeeze %dma_wait3A_315 : memref<1x128x128xf32, #tpu.memory_space<vmem>> -> memref<128x128xf32, #tpu.memory_space<vmem>>
      %dma_wait3A_317 = arith.constant 0 : i32
      %dma_wait3A_318 = arith.constant 0 : i32
      %dma_wait3A_319 = tpu.memref_slice %arg4[%dma_wait3A_317, %dma_wait3A_318] : memref<819200x128xf32, #tpu.memory_space<hbm>> -> memref<128x128xf32, #tpu.memory_space<hbm>>
      tpu.wait_dma2 semaphore(%arg13 : memref<!tpu.dma_semaphore, #tpu.memory_space<semaphore_mem>>) src(%dma_wait3A_319 : memref<128x128xf32, #tpu.memory_space<hbm>>) dst(%dma_wait3A_316 : memref<128x128xf32, #tpu.memory_space<vmem>>)
      %mul3A_320 = arith.constant 128 : i32
      %mul3A_321 = arith.muli %add3A_304, %mul3A_320 : i32
      %multiple_of3A_322 = tpu.assume_multiple %mul3A_321, 128 : i32
      %dma_start3A_323 = arith.constant 1 : i32
      %dma_start3A_324 = arith.constant 0 : i32
      %dma_start3A_325 = arith.constant 0 : i32
      %dma_start3A_326 = tpu.memref_slice %arg6[%dma_start3A_323, %dma_start3A_324, %dma_start3A_325] : memref<4x128x128xf32, #tpu.memory_space<vmem>> -> memref<1x128x128xf32, #tpu.memory_space<vmem>>
      %dma_start3A_327 = tpu.memref_squeeze %dma_start3A_326 : memref<1x128x128xf32, #tpu.memory_space<vmem>> -> memref<128x128xf32, #tpu.memory_space<vmem>>
      %dma_start3A_328 = tpu.memref_slice %arg5[%multiple_of3A_322] : memref<25600xi32, #tpu.memory_space<vmem>> -> memref<128xi32, #tpu.memory_space<vmem>>
      %dma_start3A_329 = arith.constant 0 : i32
      %dma_start3A_330 = arith.constant 0 : i32
      %dma_start3A_331 = tpu.memref_slice %arg7[%dma_start3A_329, %dma_start3A_330] : memref<3968x128xf32, #tpu.memory_space<vmem_shared>> -> memref<3968x128xf32, #tpu.memory_space<vmem_shared>>
      tpu.enqueue_indirect_dma source(%dma_start3A_331 : memref<3968x128xf32, #tpu.memory_space<vmem_shared>>) target(%dma_start3A_327 : memref<128x128xf32, #tpu.memory_space<vmem>>) offsets(%dma_start3A_328 : memref<128xi32, #tpu.memory_space<vmem>>) semaphore(%arg9 : memref<!tpu.dma_semaphore, #tpu.memory_space<semaphore_mem>>)
      %dma_wait3A_332 = arith.constant 0 : i32
      %dma_wait3A_333 = arith.constant 0 : i32
      %dma_wait3A_334 = arith.constant 0 : i32
      %dma_wait3A_335 = tpu.memref_slice %arg6[%dma_wait3A_332, %dma_wait3A_333, %dma_wait3A_334] : memref<4x128x128xf32, #tpu.memory_space<vmem>> -> memref<1x128x128xf32, #tpu.memory_space<vmem>>
      %dma_wait3A_336 = tpu.memref_squeeze %dma_wait3A_335 : memref<1x128x128xf32, #tpu.memory_space<vmem>> -> memref<128x128xf32, #tpu.memory_space<vmem>>
      %dma_wait3A_337 = arith.constant 0 : i32
      %dma_wait3A_338 = arith.constant 0 : i32
      %dma_wait3A_339 = tpu.memref_slice %arg4[%dma_wait3A_337, %dma_wait3A_338] : memref<819200x128xf32, #tpu.memory_space<hbm>> -> memref<128x128xf32, #tpu.memory_space<hbm>>
      %dma_wait3A_340 = arith.constant 0 : i32
      %dma_wait3A_341 = arith.constant 0 : i32
      %dma_wait3A_342 = tpu.memref_slice %arg6[%dma_wait3A_332, %dma_wait3A_340, %dma_wait3A_341] : memref<4x128x128xf32, #tpu.memory_space<vmem>> -> memref<1x128x128xf32, #tpu.memory_space<vmem>>
      %dma_wait3A_343 = tpu.memref_squeeze %dma_wait3A_342 : memref<1x128x128xf32, #tpu.memory_space<vmem>> -> memref<128x128xf32, #tpu.memory_space<vmem>>
      %dma_wait3A_344 = arith.constant 0 : i32
      %dma_wait3A_345 = arith.constant 0 : i32
      %dma_wait3A_346 = tpu.memref_slice %arg4[%dma_wait3A_344, %dma_wait3A_345] : memref<819200x128xf32, #tpu.memory_space<hbm>> -> memref<128x128xf32, #tpu.memory_space<hbm>>
      tpu.wait_dma2 semaphore(%arg10 : memref<!tpu.dma_semaphore, #tpu.memory_space<semaphore_mem>>) src(%dma_wait3A_346 : memref<128x128xf32, #tpu.memory_space<hbm>>) dst(%dma_wait3A_343 : memref<128x128xf32, #tpu.memory_space<vmem>>)
      %sub3A_347 = arith.constant 3 : i32
      %sub3A_348 = arith.subi %add3A_304, %sub3A_347 : i32
      %mul3A_349 = arith.constant 128 : i32
      %mul3A_350 = arith.muli %sub3A_348, %mul3A_349 : i32
      %add3A_351 = arith.addi %mul3A_2, %mul3A_350 : i32
      %multiple_of3A_352 = tpu.assume_multiple %add3A_351, 128 : i32
      %dma_start3A_353 = arith.constant 2 : i32
      %dma_start3A_354 = arith.constant 0 : i32
      %dma_start3A_355 = arith.constant 0 : i32
      %dma_start3A_356 = tpu.memref_slice %arg6[%dma_start3A_353, %dma_start3A_354, %dma_start3A_355] : memref<4x128x128xf32, #tpu.memory_space<vmem>> -> memref<1x128x128xf32, #tpu.memory_space<vmem>>
      %dma_start3A_357 = tpu.memref_squeeze %dma_start3A_356 : memref<1x128x128xf32, #tpu.memory_space<vmem>> -> memref<128x128xf32, #tpu.memory_space<vmem>>
      %dma_start3A_358 = arith.constant 0 : i32
      %dma_start3A_359 = tpu.memref_slice %arg4[%multiple_of3A_352, %dma_start3A_358] : memref<819200x128xf32, #tpu.memory_space<hbm>> -> memref<128x128xf32, #tpu.memory_space<hbm>>
      %dma_start3A_360 = arith.constant 0 : i32
      %dma_start3A_361 = tpu.memref_slice %arg4[%multiple_of3A_352, %dma_start3A_360] : memref<819200x128xf32, #tpu.memory_space<hbm>> -> memref<128x128xf32, #tpu.memory_space<hbm>>
      %dma_start3A_362 = arith.constant 0 : i32
      %dma_start3A_363 = arith.constant 0 : i32
      %dma_start3A_364 = tpu.memref_slice %arg6[%dma_start3A_353, %dma_start3A_362, %dma_start3A_363] : memref<4x128x128xf32, #tpu.memory_space<vmem>> -> memref<1x128x128xf32, #tpu.memory_space<vmem>>
      %dma_start3A_365 = tpu.memref_squeeze %dma_start3A_364 : memref<1x128x128xf32, #tpu.memory_space<vmem>> -> memref<128x128xf32, #tpu.memory_space<vmem>>
      tpu.enqueue_dma source(%dma_start3A_365 : memref<128x128xf32, #tpu.memory_space<vmem>>) target(%dma_start3A_361 : memref<128x128xf32, #tpu.memory_space<hbm>>) target_semaphore(%arg14 : memref<!tpu.dma_semaphore, #tpu.memory_space<semaphore_mem>>)
      %mul3A_366 = arith.constant 4 : i32
      %mul3A_367 = arith.muli %scan3A_236, %mul3A_366 : i32
      %add3A_368 = arith.constant 2 : i32
      %add3A_369 = arith.addi %mul3A_367, %add3A_368 : i32
      %dma_wait3A_370 = arith.constant 0 : i32
      %dma_wait3A_371 = arith.constant 0 : i32
      %dma_wait3A_372 = arith.constant 0 : i32
      %dma_wait3A_373 = tpu.memref_slice %arg6[%dma_wait3A_370, %dma_wait3A_371, %dma_wait3A_372] : memref<4x128x128xf32, #tpu.memory_space<vmem>> -> memref<1x128x128xf32, #tpu.memory_space<vmem>>
      %dma_wait3A_374 = tpu.memref_squeeze %dma_wait3A_373 : memref<1x128x128xf32, #tpu.memory_space<vmem>> -> memref<128x128xf32, #tpu.memory_space<vmem>>
      %dma_wait3A_375 = arith.constant 0 : i32
      %dma_wait3A_376 = arith.constant 0 : i32
      %dma_wait3A_377 = tpu.memref_slice %arg4[%dma_wait3A_375, %dma_wait3A_376] : memref<819200x128xf32, #tpu.memory_space<hbm>> -> memref<128x128xf32, #tpu.memory_space<hbm>>
      %dma_wait3A_378 = arith.constant 0 : i32
      %dma_wait3A_379 = arith.constant 0 : i32
      %dma_wait3A_380 = tpu.memref_slice %arg6[%dma_wait3A_370, %dma_wait3A_378, %dma_wait3A_379] : memref<4x128x128xf32, #tpu.memory_space<vmem>> -> memref<1x128x128xf32, #tpu.memory_space<vmem>>
      %dma_wait3A_381 = tpu.memref_squeeze %dma_wait3A_380 : memref<1x128x128xf32, #tpu.memory_space<vmem>> -> memref<128x128xf32, #tpu.memory_space<vmem>>
      %dma_wait3A_382 = arith.constant 0 : i32
      %dma_wait3A_383 = arith.constant 0 : i32
      %dma_wait3A_384 = tpu.memref_slice %arg4[%dma_wait3A_382, %dma_wait3A_383] : memref<819200x128xf32, #tpu.memory_space<hbm>> -> memref<128x128xf32, #tpu.memory_space<hbm>>
      tpu.wait_dma2 semaphore(%arg14 : memref<!tpu.dma_semaphore, #tpu.memory_space<semaphore_mem>>) src(%dma_wait3A_384 : memref<128x128xf32, #tpu.memory_space<hbm>>) dst(%dma_wait3A_381 : memref<128x128xf32, #tpu.memory_space<vmem>>)
      %mul3A_385 = arith.constant 128 : i32
      %mul3A_386 = arith.muli %add3A_369, %mul3A_385 : i32
      %multiple_of3A_387 = tpu.assume_multiple %mul3A_386, 128 : i32
      %dma_start3A_388 = arith.constant 2 : i32
      %dma_start3A_389 = arith.constant 0 : i32
      %dma_start3A_390 = arith.constant 0 : i32
      %dma_start3A_391 = tpu.memref_slice %arg6[%dma_start3A_388, %dma_start3A_389, %dma_start3A_390] : memref<4x128x128xf32, #tpu.memory_space<vmem>> -> memref<1x128x128xf32, #tpu.memory_space<vmem>>
      %dma_start3A_392 = tpu.memref_squeeze %dma_start3A_391 : memref<1x128x128xf32, #tpu.memory_space<vmem>> -> memref<128x128xf32, #tpu.memory_space<vmem>>
      %dma_start3A_393 = tpu.memref_slice %arg5[%multiple_of3A_387] : memref<25600xi32, #tpu.memory_space<vmem>> -> memref<128xi32, #tpu.memory_space<vmem>>
      %dma_start3A_394 = arith.constant 0 : i32
      %dma_start3A_395 = arith.constant 0 : i32
      %dma_start3A_396 = tpu.memref_slice %arg7[%dma_start3A_394, %dma_start3A_395] : memref<3968x128xf32, #tpu.memory_space<vmem_shared>> -> memref<3968x128xf32, #tpu.memory_space<vmem_shared>>
      tpu.enqueue_indirect_dma source(%dma_start3A_396 : memref<3968x128xf32, #tpu.memory_space<vmem_shared>>) target(%dma_start3A_392 : memref<128x128xf32, #tpu.memory_space<vmem>>) offsets(%dma_start3A_393 : memref<128xi32, #tpu.memory_space<vmem>>) semaphore(%arg10 : memref<!tpu.dma_semaphore, #tpu.memory_space<semaphore_mem>>)
      %dma_wait3A_397 = arith.constant 0 : i32
      %dma_wait3A_398 = arith.constant 0 : i32
      %dma_wait3A_399 = arith.constant 0 : i32
      %dma_wait3A_400 = tpu.memref_slice %arg6[%dma_wait3A_397, %dma_wait3A_398, %dma_wait3A_399] : memref<4x128x128xf32, #tpu.memory_space<vmem>> -> memref<1x128x128xf32, #tpu.memory_space<vmem>>
      %dma_wait3A_401 = tpu.memref_squeeze %dma_wait3A_400 : memref<1x128x128xf32, #tpu.memory_space<vmem>> -> memref<128x128xf32, #tpu.memory_space<vmem>>
      %dma_wait3A_402 = arith.constant 0 : i32
      %dma_wait3A_403 = arith.constant 0 : i32
      %dma_wait3A_404 = tpu.memref_slice %arg4[%dma_wait3A_402, %dma_wait3A_403] : memref<819200x128xf32, #tpu.memory_space<hbm>> -> memref<128x128xf32, #tpu.memory_space<hbm>>
      %dma_wait3A_405 = arith.constant 0 : i32
      %dma_wait3A_406 = arith.constant 0 : i32
      %dma_wait3A_407 = tpu.memref_slice %arg6[%dma_wait3A_397, %dma_wait3A_405, %dma_wait3A_406] : memref<4x128x128xf32, #tpu.memory_space<vmem>> -> memref<1x128x128xf32, #tpu.memory_space<vmem>>
      %dma_wait3A_408 = tpu.memref_squeeze %dma_wait3A_407 : memref<1x128x128xf32, #tpu.memory_space<vmem>> -> memref<128x128xf32, #tpu.memory_space<vmem>>
      %dma_wait3A_409 = arith.constant 0 : i32
      %dma_wait3A_410 = arith.constant 0 : i32
      %dma_wait3A_411 = tpu.memref_slice %arg4[%dma_wait3A_409, %dma_wait3A_410] : memref<819200x128xf32, #tpu.memory_space<hbm>> -> memref<128x128xf32, #tpu.memory_space<hbm>>
      tpu.wait_dma2 semaphore(%arg11 : memref<!tpu.dma_semaphore, #tpu.memory_space<semaphore_mem>>) src(%dma_wait3A_411 : memref<128x128xf32, #tpu.memory_space<hbm>>) dst(%dma_wait3A_408 : memref<128x128xf32, #tpu.memory_space<vmem>>)
      %sub3A_412 = arith.constant 3 : i32
      %sub3A_413 = arith.subi %add3A_369, %sub3A_412 : i32
      %mul3A_414 = arith.constant 128 : i32
      %mul3A_415 = arith.muli %sub3A_413, %mul3A_414 : i32
      %add3A_416 = arith.addi %mul3A_2, %mul3A_415 : i32
      %multiple_of3A_417 = tpu.assume_multiple %add3A_416, 128 : i32
      %dma_start3A_418 = arith.constant 3 : i32
      %dma_start3A_419 = arith.constant 0 : i32
      %dma_start3A_420 = arith.constant 0 : i32
      %dma_start3A_421 = tpu.memref_slice %arg6[%dma_start3A_418, %dma_start3A_419, %dma_start3A_420] : memref<4x128x128xf32, #tpu.memory_space<vmem>> -> memref<1x128x128xf32, #tpu.memory_space<vmem>>
      %dma_start3A_422 = tpu.memref_squeeze %dma_start3A_421 : memref<1x128x128xf32, #tpu.memory_space<vmem>> -> memref<128x128xf32, #tpu.memory_space<vmem>>
      %dma_start3A_423 = arith.constant 0 : i32
      %dma_start3A_424 = tpu.memref_slice %arg4[%multiple_of3A_417, %dma_start3A_423] : memref<819200x128xf32, #tpu.memory_space<hbm>> -> memref<128x128xf32, #tpu.memory_space<hbm>>
      %dma_start3A_425 = arith.constant 0 : i32
      %dma_start3A_426 = tpu.memref_slice %arg4[%multiple_of3A_417, %dma_start3A_425] : memref<819200x128xf32, #tpu.memory_space<hbm>> -> memref<128x128xf32, #tpu.memory_space<hbm>>
      %dma_start3A_427 = arith.constant 0 : i32
      %dma_start3A_428 = arith.constant 0 : i32
      %dma_start3A_429 = tpu.memref_slice %arg6[%dma_start3A_418, %dma_start3A_427, %dma_start3A_428] : memref<4x128x128xf32, #tpu.memory_space<vmem>> -> memref<1x128x128xf32, #tpu.memory_space<vmem>>
      %dma_start3A_430 = tpu.memref_squeeze %dma_start3A_429 : memref<1x128x128xf32, #tpu.memory_space<vmem>> -> memref<128x128xf32, #tpu.memory_space<vmem>>
      tpu.enqueue_dma source(%dma_start3A_430 : memref<128x128xf32, #tpu.memory_space<vmem>>) target(%dma_start3A_426 : memref<128x128xf32, #tpu.memory_space<hbm>>) target_semaphore(%arg15 : memref<!tpu.dma_semaphore, #tpu.memory_space<semaphore_mem>>)
      %mul3A_431 = arith.constant 4 : i32
      %mul3A_432 = arith.muli %scan3A_236, %mul3A_431 : i32
      %add3A_433 = arith.constant 3 : i32
      %add3A_434 = arith.addi %mul3A_432, %add3A_433 : i32
      %dma_wait3A_435 = arith.constant 0 : i32
      %dma_wait3A_436 = arith.constant 0 : i32
      %dma_wait3A_437 = arith.constant 0 : i32
      %dma_wait3A_438 = tpu.memref_slice %arg6[%dma_wait3A_435, %dma_wait3A_436, %dma_wait3A_437] : memref<4x128x128xf32, #tpu.memory_space<vmem>> -> memref<1x128x128xf32, #tpu.memory_space<vmem>>
      %dma_wait3A_439 = tpu.memref_squeeze %dma_wait3A_438 : memref<1x128x128xf32, #tpu.memory_space<vmem>> -> memref<128x128xf32, #tpu.memory_space<vmem>>
      %dma_wait3A_440 = arith.constant 0 : i32
      %dma_wait3A_441 = arith.constant 0 : i32
      %dma_wait3A_442 = tpu.memref_slice %arg4[%dma_wait3A_440, %dma_wait3A_441] : memref<819200x128xf32, #tpu.memory_space<hbm>> -> memref<128x128xf32, #tpu.memory_space<hbm>>
      %dma_wait3A_443 = arith.constant 0 : i32
      %dma_wait3A_444 = arith.constant 0 : i32
      %dma_wait3A_445 = tpu.memref_slice %arg6[%dma_wait3A_435, %dma_wait3A_443, %dma_wait3A_444] : memref<4x128x128xf32, #tpu.memory_space<vmem>> -> memref<1x128x128xf32, #tpu.memory_space<vmem>>
      %dma_wait3A_446 = tpu.memref_squeeze %dma_wait3A_445 : memref<1x128x128xf32, #tpu.memory_space<vmem>> -> memref<128x128xf32, #tpu.memory_space<vmem>>
      %dma_wait3A_447 = arith.constant 0 : i32
      %dma_wait3A_448 = arith.constant 0 : i32
      %dma_wait3A_449 = tpu.memref_slice %arg4[%dma_wait3A_447, %dma_wait3A_448] : memref<819200x128xf32, #tpu.memory_space<hbm>> -> memref<128x128xf32, #tpu.memory_space<hbm>>
      tpu.wait_dma2 semaphore(%arg15 : memref<!tpu.dma_semaphore, #tpu.memory_space<semaphore_mem>>) src(%dma_wait3A_449 : memref<128x128xf32, #tpu.memory_space<hbm>>) dst(%dma_wait3A_446 : memref<128x128xf32, #tpu.memory_space<vmem>>)
      %mul3A_450 = arith.constant 128 : i32
      %mul3A_451 = arith.muli %add3A_434, %mul3A_450 : i32
      %multiple_of3A_452 = tpu.assume_multiple %mul3A_451, 128 : i32
      %dma_start3A_453 = arith.constant 3 : i32
      %dma_start3A_454 = arith.constant 0 : i32
      %dma_start3A_455 = arith.constant 0 : i32
      %dma_start3A_456 = tpu.memref_slice %arg6[%dma_start3A_453, %dma_start3A_454, %dma_start3A_455] : memref<4x128x128xf32, #tpu.memory_space<vmem>> -> memref<1x128x128xf32, #tpu.memory_space<vmem>>
      %dma_start3A_457 = tpu.memref_squeeze %dma_start3A_456 : memref<1x128x128xf32, #tpu.memory_space<vmem>> -> memref<128x128xf32, #tpu.memory_space<vmem>>
      %dma_start3A_458 = tpu.memref_slice %arg5[%multiple_of3A_452] : memref<25600xi32, #tpu.memory_space<vmem>> -> memref<128xi32, #tpu.memory_space<vmem>>
      %dma_start3A_459 = arith.constant 0 : i32
      %dma_start3A_460 = arith.constant 0 : i32
      %dma_start3A_461 = tpu.memref_slice %arg7[%dma_start3A_459, %dma_start3A_460] : memref<3968x128xf32, #tpu.memory_space<vmem_shared>> -> memref<3968x128xf32, #tpu.memory_space<vmem_shared>>
      tpu.enqueue_indirect_dma source(%dma_start3A_461 : memref<3968x128xf32, #tpu.memory_space<vmem_shared>>) target(%dma_start3A_457 : memref<128x128xf32, #tpu.memory_space<vmem>>) offsets(%dma_start3A_458 : memref<128xi32, #tpu.memory_space<vmem>>) semaphore(%arg11 : memref<!tpu.dma_semaphore, #tpu.memory_space<semaphore_mem>>)
      %dma_wait3A_462 = arith.constant 0 : i32
      %dma_wait3A_463 = arith.constant 0 : i32
      %dma_wait3A_464 = arith.constant 0 : i32
      %dma_wait3A_465 = tpu.memref_slice %arg6[%dma_wait3A_462, %dma_wait3A_463, %dma_wait3A_464] : memref<4x128x128xf32, #tpu.memory_space<vmem>> -> memref<1x128x128xf32, #tpu.memory_space<vmem>>
      %dma_wait3A_466 = tpu.memref_squeeze %dma_wait3A_465 : memref<1x128x128xf32, #tpu.memory_space<vmem>> -> memref<128x128xf32, #tpu.memory_space<vmem>>
      %dma_wait3A_467 = arith.constant 0 : i32
      %dma_wait3A_468 = arith.constant 0 : i32
      %dma_wait3A_469 = tpu.memref_slice %arg4[%dma_wait3A_467, %dma_wait3A_468] : memref<819200x128xf32, #tpu.memory_space<hbm>> -> memref<128x128xf32, #tpu.memory_space<hbm>>
      %dma_wait3A_470 = arith.constant 0 : i32
      %dma_wait3A_471 = arith.constant 0 : i32
      %dma_wait3A_472 = tpu.memref_slice %arg6[%dma_wait3A_462, %dma_wait3A_470, %dma_wait3A_471] : memref<4x128x128xf32, #tpu.memory_space<vmem>> -> memref<1x128x128xf32, #tpu.memory_space<vmem>>
      %dma_wait3A_473 = tpu.memref_squeeze %dma_wait3A_472 : memref<1x128x128xf32, #tpu.memory_space<vmem>> -> memref<128x128xf32, #tpu.memory_space<vmem>>
      %dma_wait3A_474 = arith.constant 0 : i32
      %dma_wait3A_475 = arith.constant 0 : i32
      %dma_wait3A_476 = tpu.memref_slice %arg4[%dma_wait3A_474, %dma_wait3A_475] : memref<819200x128xf32, #tpu.memory_space<hbm>> -> memref<128x128xf32, #tpu.memory_space<hbm>>
      tpu.wait_dma2 semaphore(%arg8 : memref<!tpu.dma_semaphore, #tpu.memory_space<semaphore_mem>>) src(%dma_wait3A_476 : memref<128x128xf32, #tpu.memory_space<hbm>>) dst(%dma_wait3A_473 : memref<128x128xf32, #tpu.memory_space<vmem>>)
      %sub3A_477 = arith.constant 3 : i32
      %sub3A_478 = arith.subi %add3A_434, %sub3A_477 : i32
      %mul3A_479 = arith.constant 128 : i32
      %mul3A_480 = arith.muli %sub3A_478, %mul3A_479 : i32
      %add3A_481 = arith.addi %mul3A_2, %mul3A_480 : i32
      %multiple_of3A_482 = tpu.assume_multiple %add3A_481, 128 : i32
      %dma_start3A_483 = arith.constant 0 : i32
      %dma_start3A_484 = arith.constant 0 : i32
      %dma_start3A_485 = arith.constant 0 : i32
      %dma_start3A_486 = tpu.memref_slice %arg6[%dma_start3A_483, %dma_start3A_484, %dma_start3A_485] : memref<4x128x128xf32, #tpu.memory_space<vmem>> -> memref<1x128x128xf32, #tpu.memory_space<vmem>>
      %dma_start3A_487 = tpu.memref_squeeze %dma_start3A_486 : memref<1x128x128xf32, #tpu.memory_space<vmem>> -> memref<128x128xf32, #tpu.memory_space<vmem>>
      %dma_start3A_488 = arith.constant 0 : i32
      %dma_start3A_489 = tpu.memref_slice %arg4[%multiple_of3A_482, %dma_start3A_488] : memref<819200x128xf32, #tpu.memory_space<hbm>> -> memref<128x128xf32, #tpu.memory_space<hbm>>
      %dma_start3A_490 = arith.constant 0 : i32
      %dma_start3A_491 = tpu.memref_slice %arg4[%multiple_of3A_482, %dma_start3A_490] : memref<819200x128xf32, #tpu.memory_space<hbm>> -> memref<128x128xf32, #tpu.memory_space<hbm>>
      %dma_start3A_492 = arith.constant 0 : i32
      %dma_start3A_493 = arith.constant 0 : i32
      %dma_start3A_494 = tpu.memref_slice %arg6[%dma_start3A_483, %dma_start3A_492, %dma_start3A_493] : memref<4x128x128xf32, #tpu.memory_space<vmem>> -> memref<1x128x128xf32, #tpu.memory_space<vmem>>
      %dma_start3A_495 = tpu.memref_squeeze %dma_start3A_494 : memref<1x128x128xf32, #tpu.memory_space<vmem>> -> memref<128x128xf32, #tpu.memory_space<vmem>>
      tpu.enqueue_dma source(%dma_start3A_495 : memref<128x128xf32, #tpu.memory_space<vmem>>) target(%dma_start3A_491 : memref<128x128xf32, #tpu.memory_space<hbm>>) target_semaphore(%arg12 : memref<!tpu.dma_semaphore, #tpu.memory_space<semaphore_mem>>)
    }
    %scan3A_82 = arith.constant 49 : i32
    %dma_wait3A_83 = arith.constant 0 : i32
    %dma_wait3A_84 = arith.constant 0 : i32
    %dma_wait3A_85 = arith.constant 0 : i32
    %dma_wait3A_86 = tpu.memref_slice %arg6[%dma_wait3A_83, %dma_wait3A_84, %dma_wait3A_85] : memref<4x128x128xf32, #tpu.memory_space<vmem>> -> memref<1x128x128xf32, #tpu.memory_space<vmem>>
    %dma_wait3A_87 = tpu.memref_squeeze %dma_wait3A_86 : memref<1x128x128xf32, #tpu.memory_space<vmem>> -> memref<128x128xf32, #tpu.memory_space<vmem>>
    %dma_wait3A_88 = arith.constant 0 : i32
    %dma_wait3A_89 = arith.constant 0 : i32
    %dma_wait3A_90 = tpu.memref_slice %arg4[%dma_wait3A_88, %dma_wait3A_89] : memref<819200x128xf32, #tpu.memory_space<hbm>> -> memref<128x128xf32, #tpu.memory_space<hbm>>
    %dma_wait3A_91 = arith.constant 0 : i32
    %dma_wait3A_92 = arith.constant 0 : i32
    %dma_wait3A_93 = tpu.memref_slice %arg6[%dma_wait3A_83, %dma_wait3A_91, %dma_wait3A_92] : memref<4x128x128xf32, #tpu.memory_space<vmem>> -> memref<1x128x128xf32, #tpu.memory_space<vmem>>
    %dma_wait3A_94 = tpu.memref_squeeze %dma_wait3A_93 : memref<1x128x128xf32, #tpu.memory_space<vmem>> -> memref<128x128xf32, #tpu.memory_space<vmem>>
    %dma_wait3A_95 = arith.constant 0 : i32
    %dma_wait3A_96 = arith.constant 0 : i32
    %dma_wait3A_97 = tpu.memref_slice %arg4[%dma_wait3A_95, %dma_wait3A_96] : memref<819200x128xf32, #tpu.memory_space<hbm>> -> memref<128x128xf32, #tpu.memory_space<hbm>>
    tpu.wait_dma2 semaphore(%arg9 : memref<!tpu.dma_semaphore, #tpu.memory_space<semaphore_mem>>) src(%dma_wait3A_97 : memref<128x128xf32, #tpu.memory_space<hbm>>) dst(%dma_wait3A_94 : memref<128x128xf32, #tpu.memory_space<vmem>>)
    %add3A_98 = arith.constant 25216 : i32
    %add3A_99 = arith.addi %mul3A_2, %add3A_98 : i32
    %multiple_of3A_100 = tpu.assume_multiple %add3A_99, 128 : i32
    %dma_start3A_101 = arith.constant 1 : i32
    %dma_start3A_102 = arith.constant 0 : i32
    %dma_start3A_103 = arith.constant 0 : i32
    %dma_start3A_104 = tpu.memref_slice %arg6[%dma_start3A_101, %dma_start3A_102, %dma_start3A_103] : memref<4x128x128xf32, #tpu.memory_space<vmem>> -> memref<1x128x128xf32, #tpu.memory_space<vmem>>
    %dma_start3A_105 = tpu.memref_squeeze %dma_start3A_104 : memref<1x128x128xf32, #tpu.memory_space<vmem>> -> memref<128x128xf32, #tpu.memory_space<vmem>>
    %dma_start3A_106 = arith.constant 0 : i32
    %dma_start3A_107 = tpu.memref_slice %arg4[%multiple_of3A_100, %dma_start3A_106] : memref<819200x128xf32, #tpu.memory_space<hbm>> -> memref<128x128xf32, #tpu.memory_space<hbm>>
    %dma_start3A_108 = arith.constant 0 : i32
    %dma_start3A_109 = tpu.memref_slice %arg4[%multiple_of3A_100, %dma_start3A_108] : memref<819200x128xf32, #tpu.memory_space<hbm>> -> memref<128x128xf32, #tpu.memory_space<hbm>>
    %dma_start3A_110 = arith.constant 0 : i32
    %dma_start3A_111 = arith.constant 0 : i32
    %dma_start3A_112 = tpu.memref_slice %arg6[%dma_start3A_101, %dma_start3A_110, %dma_start3A_111] : memref<4x128x128xf32, #tpu.memory_space<vmem>> -> memref<1x128x128xf32, #tpu.memory_space<vmem>>
    %dma_start3A_113 = tpu.memref_squeeze %dma_start3A_112 : memref<1x128x128xf32, #tpu.memory_space<vmem>> -> memref<128x128xf32, #tpu.memory_space<vmem>>
    tpu.enqueue_dma source(%dma_start3A_113 : memref<128x128xf32, #tpu.memory_space<vmem>>) target(%dma_start3A_109 : memref<128x128xf32, #tpu.memory_space<hbm>>) target_semaphore(%arg13 : memref<!tpu.dma_semaphore, #tpu.memory_space<semaphore_mem>>)
    %dma_wait3A_114 = arith.constant 0 : i32
    %dma_wait3A_115 = arith.constant 0 : i32
    %dma_wait3A_116 = arith.constant 0 : i32
    %dma_wait3A_117 = tpu.memref_slice %arg6[%dma_wait3A_114, %dma_wait3A_115, %dma_wait3A_116] : memref<4x128x128xf32, #tpu.memory_space<vmem>> -> memref<1x128x128xf32, #tpu.memory_space<vmem>>
    %dma_wait3A_118 = tpu.memref_squeeze %dma_wait3A_117 : memref<1x128x128xf32, #tpu.memory_space<vmem>> -> memref<128x128xf32, #tpu.memory_space<vmem>>
    %dma_wait3A_119 = arith.constant 0 : i32
    %dma_wait3A_120 = arith.constant 0 : i32
    %dma_wait3A_121 = tpu.memref_slice %arg4[%dma_wait3A_119, %dma_wait3A_120] : memref<819200x128xf32, #tpu.memory_space<hbm>> -> memref<128x128xf32, #tpu.memory_space<hbm>>
    %dma_wait3A_122 = arith.constant 0 : i32
    %dma_wait3A_123 = arith.constant 0 : i32
    %dma_wait3A_124 = tpu.memref_slice %arg6[%dma_wait3A_114, %dma_wait3A_122, %dma_wait3A_123] : memref<4x128x128xf32, #tpu.memory_space<vmem>> -> memref<1x128x128xf32, #tpu.memory_space<vmem>>
    %dma_wait3A_125 = tpu.memref_squeeze %dma_wait3A_124 : memref<1x128x128xf32, #tpu.memory_space<vmem>> -> memref<128x128xf32, #tpu.memory_space<vmem>>
    %dma_wait3A_126 = arith.constant 0 : i32
    %dma_wait3A_127 = arith.constant 0 : i32
    %dma_wait3A_128 = tpu.memref_slice %arg4[%dma_wait3A_126, %dma_wait3A_127] : memref<819200x128xf32, #tpu.memory_space<hbm>> -> memref<128x128xf32, #tpu.memory_space<hbm>>
    tpu.wait_dma2 semaphore(%arg10 : memref<!tpu.dma_semaphore, #tpu.memory_space<semaphore_mem>>) src(%dma_wait3A_128 : memref<128x128xf32, #tpu.memory_space<hbm>>) dst(%dma_wait3A_125 : memref<128x128xf32, #tpu.memory_space<vmem>>)
    %add3A_129 = arith.constant 25344 : i32
    %add3A_130 = arith.addi %mul3A_2, %add3A_129 : i32
    %multiple_of3A_131 = tpu.assume_multiple %add3A_130, 128 : i32
    %dma_start3A_132 = arith.constant 2 : i32
    %dma_start3A_133 = arith.constant 0 : i32
    %dma_start3A_134 = arith.constant 0 : i32
    %dma_start3A_135 = tpu.memref_slice %arg6[%dma_start3A_132, %dma_start3A_133, %dma_start3A_134] : memref<4x128x128xf32, #tpu.memory_space<vmem>> -> memref<1x128x128xf32, #tpu.memory_space<vmem>>
    %dma_start3A_136 = tpu.memref_squeeze %dma_start3A_135 : memref<1x128x128xf32, #tpu.memory_space<vmem>> -> memref<128x128xf32, #tpu.memory_space<vmem>>
    %dma_start3A_137 = arith.constant 0 : i32
    %dma_start3A_138 = tpu.memref_slice %arg4[%multiple_of3A_131, %dma_start3A_137] : memref<819200x128xf32, #tpu.memory_space<hbm>> -> memref<128x128xf32, #tpu.memory_space<hbm>>
    %dma_start3A_139 = arith.constant 0 : i32
    %dma_start3A_140 = tpu.memref_slice %arg4[%multiple_of3A_131, %dma_start3A_139] : memref<819200x128xf32, #tpu.memory_space<hbm>> -> memref<128x128xf32, #tpu.memory_space<hbm>>
    %dma_start3A_141 = arith.constant 0 : i32
    %dma_start3A_142 = arith.constant 0 : i32
    %dma_start3A_143 = tpu.memref_slice %arg6[%dma_start3A_132, %dma_start3A_141, %dma_start3A_142] : memref<4x128x128xf32, #tpu.memory_space<vmem>> -> memref<1x128x128xf32, #tpu.memory_space<vmem>>
    %dma_start3A_144 = tpu.memref_squeeze %dma_start3A_143 : memref<1x128x128xf32, #tpu.memory_space<vmem>> -> memref<128x128xf32, #tpu.memory_space<vmem>>
    tpu.enqueue_dma source(%dma_start3A_144 : memref<128x128xf32, #tpu.memory_space<vmem>>) target(%dma_start3A_140 : memref<128x128xf32, #tpu.memory_space<hbm>>) target_semaphore(%arg14 : memref<!tpu.dma_semaphore, #tpu.memory_space<semaphore_mem>>)
    %dma_wait3A_145 = arith.constant 0 : i32
    %dma_wait3A_146 = arith.constant 0 : i32
    %dma_wait3A_147 = arith.constant 0 : i32
    %dma_wait3A_148 = tpu.memref_slice %arg6[%dma_wait3A_145, %dma_wait3A_146, %dma_wait3A_147] : memref<4x128x128xf32, #tpu.memory_space<vmem>> -> memref<1x128x128xf32, #tpu.memory_space<vmem>>
    %dma_wait3A_149 = tpu.memref_squeeze %dma_wait3A_148 : memref<1x128x128xf32, #tpu.memory_space<vmem>> -> memref<128x128xf32, #tpu.memory_space<vmem>>
    %dma_wait3A_150 = arith.constant 0 : i32
    %dma_wait3A_151 = arith.constant 0 : i32
    %dma_wait3A_152 = tpu.memref_slice %arg4[%dma_wait3A_150, %dma_wait3A_151] : memref<819200x128xf32, #tpu.memory_space<hbm>> -> memref<128x128xf32, #tpu.memory_space<hbm>>
    %dma_wait3A_153 = arith.constant 0 : i32
    %dma_wait3A_154 = arith.constant 0 : i32
    %dma_wait3A_155 = tpu.memref_slice %arg6[%dma_wait3A_145, %dma_wait3A_153, %dma_wait3A_154] : memref<4x128x128xf32, #tpu.memory_space<vmem>> -> memref<1x128x128xf32, #tpu.memory_space<vmem>>
    %dma_wait3A_156 = tpu.memref_squeeze %dma_wait3A_155 : memref<1x128x128xf32, #tpu.memory_space<vmem>> -> memref<128x128xf32, #tpu.memory_space<vmem>>
    %dma_wait3A_157 = arith.constant 0 : i32
    %dma_wait3A_158 = arith.constant 0 : i32
    %dma_wait3A_159 = tpu.memref_slice %arg4[%dma_wait3A_157, %dma_wait3A_158] : memref<819200x128xf32, #tpu.memory_space<hbm>> -> memref<128x128xf32, #tpu.memory_space<hbm>>
    tpu.wait_dma2 semaphore(%arg11 : memref<!tpu.dma_semaphore, #tpu.memory_space<semaphore_mem>>) src(%dma_wait3A_159 : memref<128x128xf32, #tpu.memory_space<hbm>>) dst(%dma_wait3A_156 : memref<128x128xf32, #tpu.memory_space<vmem>>)
    %add3A_160 = arith.constant 25472 : i32
    %add3A_161 = arith.addi %mul3A_2, %add3A_160 : i32
    %multiple_of3A_162 = tpu.assume_multiple %add3A_161, 128 : i32
    %dma_start3A_163 = arith.constant 3 : i32
    %dma_start3A_164 = arith.constant 0 : i32
    %dma_start3A_165 = arith.constant 0 : i32
    %dma_start3A_166 = tpu.memref_slice %arg6[%dma_start3A_163, %dma_start3A_164, %dma_start3A_165] : memref<4x128x128xf32, #tpu.memory_space<vmem>> -> memref<1x128x128xf32, #tpu.memory_space<vmem>>
    %dma_start3A_167 = tpu.memref_squeeze %dma_start3A_166 : memref<1x128x128xf32, #tpu.memory_space<vmem>> -> memref<128x128xf32, #tpu.memory_space<vmem>>
    %dma_start3A_168 = arith.constant 0 : i32
    %dma_start3A_169 = tpu.memref_slice %arg4[%multiple_of3A_162, %dma_start3A_168] : memref<819200x128xf32, #tpu.memory_space<hbm>> -> memref<128x128xf32, #tpu.memory_space<hbm>>
    %dma_start3A_170 = arith.constant 0 : i32
    %dma_start3A_171 = tpu.memref_slice %arg4[%multiple_of3A_162, %dma_start3A_170] : memref<819200x128xf32, #tpu.memory_space<hbm>> -> memref<128x128xf32, #tpu.memory_space<hbm>>
    %dma_start3A_172 = arith.constant 0 : i32
    %dma_start3A_173 = arith.constant 0 : i32
    %dma_start3A_174 = tpu.memref_slice %arg6[%dma_start3A_163, %dma_start3A_172, %dma_start3A_173] : memref<4x128x128xf32, #tpu.memory_space<vmem>> -> memref<1x128x128xf32, #tpu.memory_space<vmem>>
    %dma_start3A_175 = tpu.memref_squeeze %dma_start3A_174 : memref<1x128x128xf32, #tpu.memory_space<vmem>> -> memref<128x128xf32, #tpu.memory_space<vmem>>
    tpu.enqueue_dma source(%dma_start3A_175 : memref<128x128xf32, #tpu.memory_space<vmem>>) target(%dma_start3A_171 : memref<128x128xf32, #tpu.memory_space<hbm>>) target_semaphore(%arg15 : memref<!tpu.dma_semaphore, #tpu.memory_space<semaphore_mem>>)
    %dma_wait3A_176 = arith.constant 0 : i32
    %dma_wait3A_177 = arith.constant 0 : i32
    %dma_wait3A_178 = arith.constant 0 : i32
    %dma_wait3A_179 = tpu.memref_slice %arg6[%dma_wait3A_176, %dma_wait3A_177, %dma_wait3A_178] : memref<4x128x128xf32, #tpu.memory_space<vmem>> -> memref<1x128x128xf32, #tpu.memory_space<vmem>>
    %dma_wait3A_180 = tpu.memref_squeeze %dma_wait3A_179 : memref<1x128x128xf32, #tpu.memory_space<vmem>> -> memref<128x128xf32, #tpu.memory_space<vmem>>
    %dma_wait3A_181 = arith.constant 0 : i32
    %dma_wait3A_182 = arith.constant 0 : i32
    %dma_wait3A_183 = tpu.memref_slice %arg4[%dma_wait3A_181, %dma_wait3A_182] : memref<819200x128xf32, #tpu.memory_space<hbm>> -> memref<128x128xf32, #tpu.memory_space<hbm>>
    %dma_wait3A_184 = arith.constant 0 : i32
    %dma_wait3A_185 = arith.constant 0 : i32
    %dma_wait3A_186 = tpu.memref_slice %arg6[%dma_wait3A_176, %dma_wait3A_184, %dma_wait3A_185] : memref<4x128x128xf32, #tpu.memory_space<vmem>> -> memref<1x128x128xf32, #tpu.memory_space<vmem>>
    %dma_wait3A_187 = tpu.memref_squeeze %dma_wait3A_186 : memref<1x128x128xf32, #tpu.memory_space<vmem>> -> memref<128x128xf32, #tpu.memory_space<vmem>>
    %dma_wait3A_188 = arith.constant 0 : i32
    %dma_wait3A_189 = arith.constant 0 : i32
    %dma_wait3A_190 = tpu.memref_slice %arg4[%dma_wait3A_188, %dma_wait3A_189] : memref<819200x128xf32, #tpu.memory_space<hbm>> -> memref<128x128xf32, #tpu.memory_space<hbm>>
    tpu.wait_dma2 semaphore(%arg12 : memref<!tpu.dma_semaphore, #tpu.memory_space<semaphore_mem>>) src(%dma_wait3A_190 : memref<128x128xf32, #tpu.memory_space<hbm>>) dst(%dma_wait3A_187 : memref<128x128xf32, #tpu.memory_space<vmem>>)
    %dma_wait3A_191 = arith.constant 0 : i32
    %dma_wait3A_192 = arith.constant 0 : i32
    %dma_wait3A_193 = arith.constant 0 : i32
    %dma_wait3A_194 = tpu.memref_slice %arg6[%dma_wait3A_191, %dma_wait3A_192, %dma_wait3A_193] : memref<4x128x128xf32, #tpu.memory_space<vmem>> -> memref<1x128x128xf32, #tpu.memory_space<vmem>>
    %dma_wait3A_195 = tpu.memref_squeeze %dma_wait3A_194 : memref<1x128x128xf32, #tpu.memory_space<vmem>> -> memref<128x128xf32, #tpu.memory_space<vmem>>
    %dma_wait3A_196 = arith.constant 0 : i32
    %dma_wait3A_197 = arith.constant 0 : i32
    %dma_wait3A_198 = tpu.memref_slice %arg4[%dma_wait3A_196, %dma_wait3A_197] : memref<819200x128xf32, #tpu.memory_space<hbm>> -> memref<128x128xf32, #tpu.memory_space<hbm>>
    %dma_wait3A_199 = arith.constant 0 : i32
    %dma_wait3A_200 = arith.constant 0 : i32
    %dma_wait3A_201 = tpu.memref_slice %arg6[%dma_wait3A_191, %dma_wait3A_199, %dma_wait3A_200] : memref<4x128x128xf32, #tpu.memory_space<vmem>> -> memref<1x128x128xf32, #tpu.memory_space<vmem>>
    %dma_wait3A_202 = tpu.memref_squeeze %dma_wait3A_201 : memref<1x128x128xf32, #tpu.memory_space<vmem>> -> memref<128x128xf32, #tpu.memory_space<vmem>>
    %dma_wait3A_203 = arith.constant 0 : i32
    %dma_wait3A_204 = arith.constant 0 : i32
    %dma_wait3A_205 = tpu.memref_slice %arg4[%dma_wait3A_203, %dma_wait3A_204] : memref<819200x128xf32, #tpu.memory_space<hbm>> -> memref<128x128xf32, #tpu.memory_space<hbm>>
    tpu.wait_dma2 semaphore(%arg13 : memref<!tpu.dma_semaphore, #tpu.memory_space<semaphore_mem>>) src(%dma_wait3A_205 : memref<128x128xf32, #tpu.memory_space<hbm>>) dst(%dma_wait3A_202 : memref<128x128xf32, #tpu.memory_space<vmem>>)
    %dma_wait3A_206 = arith.constant 0 : i32
    %dma_wait3A_207 = arith.constant 0 : i32
    %dma_wait3A_208 = arith.constant 0 : i32
    %dma_wait3A_209 = tpu.memref_slice %arg6[%dma_wait3A_206, %dma_wait3A_207, %dma_wait3A_208] : memref<4x128x128xf32, #tpu.memory_space<vmem>> -> memref<1x128x128xf32, #tpu.memory_space<vmem>>
    %dma_wait3A_210 = tpu.memref_squeeze %dma_wait3A_209 : memref<1x128x128xf32, #tpu.memory_space<vmem>> -> memref<128x128xf32, #tpu.memory_space<vmem>>
    %dma_wait3A_211 = arith.constant 0 : i32
    %dma_wait3A_212 = arith.constant 0 : i32
    %dma_wait3A_213 = tpu.memref_slice %arg4[%dma_wait3A_211, %dma_wait3A_212] : memref<819200x128xf32, #tpu.memory_space<hbm>> -> memref<128x128xf32, #tpu.memory_space<hbm>>
    %dma_wait3A_214 = arith.constant 0 : i32
    %dma_wait3A_215 = arith.constant 0 : i32
    %dma_wait3A_216 = tpu.memref_slice %arg6[%dma_wait3A_206, %dma_wait3A_214, %dma_wait3A_215] : memref<4x128x128xf32, #tpu.memory_space<vmem>> -> memref<1x128x128xf32, #tpu.memory_space<vmem>>
    %dma_wait3A_217 = tpu.memref_squeeze %dma_wait3A_216 : memref<1x128x128xf32, #tpu.memory_space<vmem>> -> memref<128x128xf32, #tpu.memory_space<vmem>>
    %dma_wait3A_218 = arith.constant 0 : i32
    %dma_wait3A_219 = arith.constant 0 : i32
    %dma_wait3A_220 = tpu.memref_slice %arg4[%dma_wait3A_218, %dma_wait3A_219] : memref<819200x128xf32, #tpu.memory_space<hbm>> -> memref<128x128xf32, #tpu.memory_space<hbm>>
    tpu.wait_dma2 semaphore(%arg14 : memref<!tpu.dma_semaphore, #tpu.memory_space<semaphore_mem>>) src(%dma_wait3A_220 : memref<128x128xf32, #tpu.memory_space<hbm>>) dst(%dma_wait3A_217 : memref<128x128xf32, #tpu.memory_space<vmem>>)
    %dma_wait3A_221 = arith.constant 0 : i32
    %dma_wait3A_222 = arith.constant 0 : i32
    %dma_wait3A_223 = arith.constant 0 : i32
    %dma_wait3A_224 = tpu.memref_slice %arg6[%dma_wait3A_221, %dma_wait3A_222, %dma_wait3A_223] : memref<4x128x128xf32, #tpu.memory_space<vmem>> -> memref<1x128x128xf32, #tpu.memory_space<vmem>>
    %dma_wait3A_225 = tpu.memref_squeeze %dma_wait3A_224 : memref<1x128x128xf32, #tpu.memory_space<vmem>> -> memref<128x128xf32, #tpu.memory_space<vmem>>
    %dma_wait3A_226 = arith.constant 0 : i32
    %dma_wait3A_227 = arith.constant 0 : i32
    %dma_wait3A_228 = tpu.memref_slice %arg4[%dma_wait3A_226, %dma_wait3A_227] : memref<819200x128xf32, #tpu.memory_space<hbm>> -> memref<128x128xf32, #tpu.memory_space<hbm>>
    %dma_wait3A_229 = arith.constant 0 : i32
    %dma_wait3A_230 = arith.constant 0 : i32
    %dma_wait3A_231 = tpu.memref_slice %arg6[%dma_wait3A_221, %dma_wait3A_229, %dma_wait3A_230] : memref<4x128x128xf32, #tpu.memory_space<vmem>> -> memref<1x128x128xf32, #tpu.memory_space<vmem>>
    %dma_wait3A_232 = tpu.memref_squeeze %dma_wait3A_231 : memref<1x128x128xf32, #tpu.memory_space<vmem>> -> memref<128x128xf32, #tpu.memory_space<vmem>>
    %dma_wait3A_233 = arith.constant 0 : i32
    %dma_wait3A_234 = arith.constant 0 : i32
    %dma_wait3A_235 = tpu.memref_slice %arg4[%dma_wait3A_233, %dma_wait3A_234] : memref<819200x128xf32, #tpu.memory_space<hbm>> -> memref<128x128xf32, #tpu.memory_space<hbm>>
    tpu.wait_dma2 semaphore(%arg15 : memref<!tpu.dma_semaphore, #tpu.memory_space<semaphore_mem>>) src(%dma_wait3A_235 : memref<128x128xf32, #tpu.memory_space<hbm>>) dst(%dma_wait3A_232 : memref<128x128xf32, #tpu.memory_space<vmem>>)
    return
  }
}

module attributes {stable_mosaic.version = 14 : i64} {
  func.func @_table_body(%arg0: i32, %arg1: memref<25x8xf32, #tpu.memory_space<vmem>>, %arg2: memref<8x8xf32, #tpu.memory_space<vmem>>, %arg3: memref<3x2xf32, #tpu.memory_space<vmem>>, %arg4: memref<130x16xf32, #tpu.memory_space<vmem>>, %arg5: memref<1x34xf32, #tpu.memory_space<vmem>>, %arg6: memref<128x34xf32, #tpu.memory_space<vmem>>, %arg7: memref<13x23x128xf32, #tpu.memory_space<vmem>>) attributes {dimension_semantics = [#tpu.dimension_semantics<arbitrary>], iteration_bounds = array<i64: 13>, scalar_prefetch = 0 : i64, scratch_operands = 0 : i64, tpu.core_type = #tpu.core_type<tc>, window_params = [{pipeline_mode = #tpu.pipeline_mode<synchronous>, transform_indices = @transform_0, window_bounds = array<i64: 25, 8>}, {pipeline_mode = #tpu.pipeline_mode<synchronous>, transform_indices = @transform_1, window_bounds = array<i64: 8, 8>}, {pipeline_mode = #tpu.pipeline_mode<synchronous>, transform_indices = @transform_2, window_bounds = array<i64: 3, 2>}, {pipeline_mode = #tpu.pipeline_mode<synchronous>, transform_indices = @transform_3, window_bounds = array<i64: 130, 16>}, {pipeline_mode = #tpu.pipeline_mode<synchronous>, transform_indices = @transform_4, window_bounds = array<i64: 1, 34>}, {pipeline_mode = #tpu.pipeline_mode<synchronous>, transform_indices = @transform_5, window_bounds = array<i64: 128, 34>}, {transform_indices = @transform_6, window_bounds = array<i64: 13, 23, 128>}]} {
    %mul3A = arith.constant 13 : i32
    %mul3A_0 = arith.muli %arg0, %mul3A : i32
    %iota3A = tpu.iota {dimensions = array<i32: 0>} : vector<13x1xi32>
    %add3A = vector.broadcast %mul3A_0 : i32 to vector<13x1xi32>
    %add3A_1 = arith.addi %add3A, %iota3A : vector<13x1xi32>
    %ge3A = arith.constant 1 : i32
    %ge3A_2 = vector.broadcast %ge3A : i32 to vector<13x1xi32>
    %ge3A_3 = arith.cmpi sge, %add3A_1, %ge3A_2 : vector<13x1xi32>
    %sub3A = arith.constant 1 : i32
    %sub3A_4 = vector.broadcast %sub3A : i32 to vector<13x1xi32>
    %sub3A_5 = arith.subi %add3A_1, %sub3A_4 : vector<13x1xi32>
    %jit3A = arith.constant 7 : i32
    %div3A = vector.broadcast %jit3A : i32 to vector<13x1xi32>
    %div3A_6 = arith.divsi %sub3A_5, %div3A : vector<13x1xi32>
    %sign3A = arith.constant 0 : i32
    %sign3A_7 = vector.broadcast %sign3A : i32 to vector<13x1xi32>
    %sign3A_8 = arith.cmpi sgt, %sub3A_5, %sign3A_7 : vector<13x1xi32>
    %sign3A_9 = arith.extui %sign3A_8 : vector<13x1xi1> to vector<13x1xi32>
    %sign3A_10 = arith.constant 0 : i32
    %sign3A_11 = vector.broadcast %sign3A_10 : i32 to vector<13x1xi32>
    %sign3A_12 = arith.cmpi slt, %sub3A_5, %sign3A_11 : vector<13x1xi32>
    %sign3A_13 = arith.extui %sign3A_12 : vector<13x1xi1> to vector<13x1xi32>
    %sign3A_14 = arith.subi %sign3A_9, %sign3A_13 : vector<13x1xi32>
    %sign3A_15 = arith.constant 0 : i32
    %sign3A_16 = arith.cmpi sgt, %jit3A, %sign3A_15 : i32
    %sign3A_17 = arith.extui %sign3A_16 : i1 to i32
    %sign3A_18 = arith.constant 0 : i32
    %sign3A_19 = arith.cmpi slt, %jit3A, %sign3A_18 : i32
    %sign3A_20 = arith.extui %sign3A_19 : i1 to i32
    %sign3A_21 = arith.subi %sign3A_17, %sign3A_20 : i32
    %ne3A = vector.broadcast %sign3A_21 : i32 to vector<13x1xi32>
    %ne3A_22 = arith.cmpi ne, %sign3A_14, %ne3A : vector<13x1xi32>
    %rem3A = vector.broadcast %jit3A : i32 to vector<13x1xi32>
    %rem3A_23 = arith.remsi %sub3A_5, %rem3A : vector<13x1xi32>
    %ne3A_24 = arith.constant 0 : i32
    %ne3A_25 = vector.broadcast %ne3A_24 : i32 to vector<13x1xi32>
    %ne3A_26 = arith.cmpi ne, %rem3A_23, %ne3A_25 : vector<13x1xi32>
    %and3A = arith.andi %ne3A_22, %ne3A_26 : vector<13x1xi1>
    %sub3A_27 = arith.constant 1 : i32
    %sub3A_28 = vector.broadcast %sub3A_27 : i32 to vector<13x1xi32>
    %sub3A_29 = arith.subi %div3A_6, %sub3A_28 : vector<13x1xi32>
    %select_n3A = arith.select %and3A, %sub3A_29, %div3A_6 : vector<13x1xi1>, vector<13x1xi32>
    %add3A_30 = arith.constant 1 : i32
    %add3A_31 = vector.broadcast %add3A_30 : i32 to vector<13x1xi32>
    %add3A_32 = arith.addi %select_n3A, %add3A_31 : vector<13x1xi32>
    %jit3A_33 = arith.constant 0 : i32
    %broadcast_in_dim3A = vector.broadcast %jit3A_33 : i32 to vector<13x1xi32>
    %select_n3A_34 = arith.select %ge3A_3, %add3A_32, %broadcast_in_dim3A : vector<13x1xi1>, vector<13x1xi32>
    %sub3A_35 = arith.constant 1 : i32
    %sub3A_36 = vector.broadcast %sub3A_35 : i32 to vector<13x1xi32>
    %sub3A_37 = arith.subi %add3A_1, %sub3A_36 : vector<13x1xi32>
    %jit3A_38 = arith.constant 7 : i32
    %eq3A = arith.constant 0 : i32
    %eq3A_39 = arith.cmpi eq, %jit3A_38, %eq3A : i32
    %jit3A_40 = arith.constant 1 : i32
    %select_n3A_41 = arith.select %eq3A_39, %jit3A_40, %jit3A_38 : i32
    %rem3A_42 = vector.broadcast %select_n3A_41 : i32 to vector<13x1xi32>
    %rem3A_43 = arith.remsi %sub3A_37, %rem3A_42 : vector<13x1xi32>
    %ne3A_44 = arith.constant 0 : i32
    %ne3A_45 = vector.broadcast %ne3A_44 : i32 to vector<13x1xi32>
    %ne3A_46 = arith.cmpi ne, %rem3A_43, %ne3A_45 : vector<13x1xi32>
    %lt3A = arith.constant 0 : i32
    %lt3A_47 = vector.broadcast %lt3A : i32 to vector<13x1xi32>
    %lt3A_48 = arith.cmpi slt, %rem3A_43, %lt3A_47 : vector<13x1xi32>
    %lt3A_49 = arith.constant 0 : i32
    %lt3A_50 = arith.cmpi slt, %select_n3A_41, %lt3A_49 : i32
    %ne3A_51 = vector.broadcast %lt3A_50 : i1 to vector<13x1xi1>
    %ne3A_52 = vector.broadcast %ne3A_51 : vector<13x1xi1> to vector<13x1xi1>
    %ne3A_53 = arith.xori %lt3A_48, %ne3A_52 : vector<13x1xi1>
    %and3A_54 = arith.andi %ne3A_53, %ne3A_46 : vector<13x1xi1>
    %add3A_55 = vector.broadcast %select_n3A_41 : i32 to vector<13x1xi32>
    %add3A_56 = arith.addi %rem3A_43, %add3A_55 : vector<13x1xi32>
    %select_n3A_57 = arith.select %and3A_54, %add3A_56, %rem3A_43 : vector<13x1xi1>, vector<13x1xi32>
    %add3A_58 = arith.constant 1 : i32
    %add3A_59 = vector.broadcast %add3A_58 : i32 to vector<13x1xi32>
    %add3A_60 = arith.addi %select_n3A_57, %add3A_59 : vector<13x1xi32>
    %jit3A_61 = arith.constant 0 : i32
    %broadcast_in_dim3A_62 = vector.broadcast %jit3A_61 : i32 to vector<13x1xi32>
    %select_n3A_63 = arith.select %ge3A_3, %add3A_60, %broadcast_in_dim3A_62 : vector<13x1xi1>, vector<13x1xi32>
    %ge3A_64 = arith.constant 6 : i32
    %ge3A_65 = vector.broadcast %ge3A_64 : i32 to vector<13x1xi32>
    %ge3A_66 = arith.cmpi sge, %select_n3A_63, %ge3A_65 : vector<13x1xi32>
    %jit3A_67 = arith.constant 2 : i32
    %jit3A_68 = arith.constant 1 : i32
    %broadcast_in_dim3A_69 = vector.broadcast %jit3A_67 : i32 to vector<13x1xi32>
    %broadcast_in_dim3A_70 = vector.broadcast %jit3A_68 : i32 to vector<13x1xi32>
    %select_n3A_71 = arith.select %ge3A_66, %broadcast_in_dim3A_69, %broadcast_in_dim3A_70 : vector<13x1xi1>, vector<13x1xi32>
    %jit3A_72 = arith.constant 0 : i32
    %broadcast_in_dim3A_73 = vector.broadcast %jit3A_72 : i32 to vector<13x1xi32>
    %select_n3A_74 = arith.select %ge3A_3, %select_n3A_71, %broadcast_in_dim3A_73 : vector<13x1xi1>, vector<13x1xi32>
    %iota3A_75 = tpu.iota {dimensions = array<i32: 1>} : vector<13x25xi32>
    %eq3A_76 = vector.broadcast %select_n3A_34 : vector<13x1xi32> to vector<13x25xi32>
    %eq3A_77 = arith.cmpi eq, %eq3A_76, %iota3A_75 : vector<13x25xi32>
    %convert_element_type3A = arith.extui %eq3A_77 : vector<13x25xi1> to vector<13x25xi32>
    %convert_element_type3A_78 = arith.sitofp %convert_element_type3A : vector<13x25xi32> to vector<13x25xf32>
    %iota3A_79 = tpu.iota {dimensions = array<i32: 1>} : vector<13x8xi32>
    %eq3A_80 = vector.broadcast %select_n3A_63 : vector<13x1xi32> to vector<13x8xi32>
    %eq3A_81 = arith.cmpi eq, %eq3A_80, %iota3A_79 : vector<13x8xi32>
    %convert_element_type3A_82 = arith.extui %eq3A_81 : vector<13x8xi1> to vector<13x8xi32>
    %convert_element_type3A_83 = arith.sitofp %convert_element_type3A_82 : vector<13x8xi32> to vector<13x8xf32>
    %iota3A_84 = tpu.iota {dimensions = array<i32: 1>} : vector<13x3xi32>
    %eq3A_85 = vector.broadcast %select_n3A_74 : vector<13x1xi32> to vector<13x3xi32>
    %eq3A_86 = arith.cmpi eq, %eq3A_85, %iota3A_84 : vector<13x3xi32>
    %convert_element_type3A_87 = arith.extui %eq3A_86 : vector<13x3xi1> to vector<13x3xi32>
    %convert_element_type3A_88 = arith.sitofp %convert_element_type3A_87 : vector<13x3xi32> to vector<13x3xf32>
    %get3A = arith.constant 0 : index
    %get3A_89 = arith.constant 0 : index
    %get3A_90 = vector.load %arg5[%get3A, %get3A_89] : memref<1x34xf32, #tpu.memory_space<vmem>>, vector<1x34xf32>
    %get3A_91 = arith.constant 0 : index
    %get3A_92 = arith.constant 0 : index
    %get3A_93 = vector.load %arg6[%get3A_91, %get3A_92] : memref<128x34xf32, #tpu.memory_space<vmem>>, vector<128x34xf32>
    %get3A_94 = arith.constant 0 : index
    %get3A_95 = arith.constant 0 : index
    %get3A_96 = vector.load %arg4[%get3A_94, %get3A_95] : memref<130x16xf32, #tpu.memory_space<vmem>>, vector<23x16xf32>
    %get3A_97 = arith.constant 0 : index
    %get3A_98 = arith.constant 0 : index
    %get3A_99 = vector.load %arg1[%get3A_97, %get3A_98] : memref<25x8xf32, #tpu.memory_space<vmem>>, vector<25x8xf32>
    %slice3A = vector.extract_strided_slice %get3A_90 {offsets = [0, 8], sizes = [1, 8], strides = [1, 1]} : vector<1x34xf32> to vector<1x8xf32>
    %mul3A_100 = vector.broadcast %slice3A : vector<1x8xf32> to vector<25x8xf32>
    %mul3A_101 = arith.mulf %get3A_99, %mul3A_100 : vector<25x8xf32>
    %slice3A_102 = vector.extract_strided_slice %get3A_93 {offsets = [0, 8], sizes = [128, 8], strides = [1, 1]} : vector<128x34xf32> to vector<128x8xf32>
    %dot_general3A = arith.constant dense<0.000000e+00> : vector<25x128xf32>
    %dot_general3A_103 = tpu.matmul %mul3A_101, %slice3A_102, %dot_general3A {dimension_numbers = #tpu.dot_dimension_numbers<[1], [1], [0], [0], [0, 0, 1, 0], [], []>, transpose_lhs_hint = false} : vector<25x8xf32>, vector<128x8xf32>, vector<25x128xf32> -> vector<25x128xf32>
    %get3A_104 = arith.constant 0 : index
    %get3A_105 = arith.constant 0 : index
    %get3A_106 = vector.load %arg2[%get3A_104, %get3A_105] : memref<8x8xf32, #tpu.memory_space<vmem>>, vector<8x8xf32>
    %slice3A_107 = vector.extract_strided_slice %get3A_90 {offsets = [0, 0], sizes = [1, 8], strides = [1, 1]} : vector<1x34xf32> to vector<1x8xf32>
    %mul3A_108 = vector.broadcast %slice3A_107 : vector<1x8xf32> to vector<8x8xf32>
    %mul3A_109 = arith.mulf %get3A_106, %mul3A_108 : vector<8x8xf32>
    %slice3A_110 = vector.extract_strided_slice %get3A_93 {offsets = [0, 0], sizes = [128, 8], strides = [1, 1]} : vector<128x34xf32> to vector<128x8xf32>
    %dot_general3A_111 = arith.constant dense<0.000000e+00> : vector<8x128xf32>
    %dot_general3A_112 = tpu.matmul %mul3A_109, %slice3A_110, %dot_general3A_111 {dimension_numbers = #tpu.dot_dimension_numbers<[1], [1], [0], [0], [0, 0, 1, 0], [], []>, transpose_lhs_hint = false} : vector<8x8xf32>, vector<128x8xf32>, vector<8x128xf32> -> vector<8x128xf32>
    %get3A_113 = arith.constant 0 : index
    %get3A_114 = arith.constant 0 : index
    %get3A_115 = vector.load %arg3[%get3A_113, %get3A_114] : memref<3x2xf32, #tpu.memory_space<vmem>>, vector<3x2xf32>
    %slice3A_116 = vector.extract_strided_slice %get3A_90 {offsets = [0, 16], sizes = [1, 2], strides = [1, 1]} : vector<1x34xf32> to vector<1x2xf32>
    %mul3A_117 = vector.broadcast %slice3A_116 : vector<1x2xf32> to vector<3x2xf32>
    %mul3A_118 = arith.mulf %get3A_115, %mul3A_117 : vector<3x2xf32>
    %slice3A_119 = vector.extract_strided_slice %get3A_93 {offsets = [0, 16], sizes = [128, 2], strides = [1, 1]} : vector<128x34xf32> to vector<128x2xf32>
    %dot_general3A_120 = arith.constant dense<0.000000e+00> : vector<3x128xf32>
    %dot_general3A_121 = tpu.matmul %mul3A_118, %slice3A_119, %dot_general3A_120 {dimension_numbers = #tpu.dot_dimension_numbers<[1], [1], [0], [0], [0, 0, 1, 0], [], []>, transpose_lhs_hint = false} : vector<3x2xf32>, vector<128x2xf32>, vector<3x128xf32> -> vector<3x128xf32>
    %slice3A_122 = vector.extract_strided_slice %get3A_90 {offsets = [0, 18], sizes = [1, 16], strides = [1, 1]} : vector<1x34xf32> to vector<1x16xf32>
    %mul3A_123 = vector.broadcast %slice3A_122 : vector<1x16xf32> to vector<23x16xf32>
    %mul3A_124 = arith.mulf %get3A_96, %mul3A_123 : vector<23x16xf32>
    %slice3A_125 = vector.extract_strided_slice %get3A_93 {offsets = [0, 18], sizes = [128, 16], strides = [1, 1]} : vector<128x34xf32> to vector<128x16xf32>
    %dot_general3A_126 = arith.constant dense<0.000000e+00> : vector<23x128xf32>
    %dot_general3A_127 = tpu.matmul %mul3A_124, %slice3A_125, %dot_general3A_126 {dimension_numbers = #tpu.dot_dimension_numbers<[1], [1], [0], [0], [0, 0, 1, 0], [], []>, transpose_lhs_hint = false} : vector<23x16xf32>, vector<128x16xf32>, vector<23x128xf32> -> vector<23x128xf32>
    %dot_general3A_128 = arith.constant dense<0.000000e+00> : vector<13x128xf32>
    %dot_general3A_129 = tpu.matmul %convert_element_type3A_83, %dot_general3A_112, %dot_general3A_128 {dimension_numbers = #tpu.dot_dimension_numbers<[1], [0], [0], [1], [0, 0, 1, 1], [], []>, transpose_lhs_hint = false} : vector<13x8xf32>, vector<8x128xf32>, vector<13x128xf32> -> vector<13x128xf32>
    %dot_general3A_130 = arith.constant dense<0.000000e+00> : vector<13x128xf32>
    %dot_general3A_131 = tpu.matmul %convert_element_type3A_78, %dot_general3A_103, %dot_general3A_130 {dimension_numbers = #tpu.dot_dimension_numbers<[1], [0], [0], [1], [0, 0, 1, 1], [], []>, transpose_lhs_hint = false} : vector<13x25xf32>, vector<25x128xf32>, vector<13x128xf32> -> vector<13x128xf32>
    %add3A_132 = arith.addf %dot_general3A_129, %dot_general3A_131 : vector<13x128xf32>
    %dot_general3A_133 = arith.constant dense<0.000000e+00> : vector<13x128xf32>
    %dot_general3A_134 = tpu.matmul %convert_element_type3A_88, %dot_general3A_121, %dot_general3A_133 {dimension_numbers = #tpu.dot_dimension_numbers<[1], [0], [0], [1], [0, 0, 1, 1], [], []>, transpose_lhs_hint = false} : vector<13x3xf32>, vector<3x128xf32>, vector<13x128xf32> -> vector<13x128xf32>
    %add3A_135 = arith.addf %add3A_132, %dot_general3A_134 : vector<13x128xf32>
    %get3A_136 = arith.constant 0 : index
    %get3A_137 = arith.constant 0 : index
    %get3A_138 = vector.load %arg1[%get3A_136, %get3A_137] : memref<25x8xf32, #tpu.memory_space<vmem>>, vector<25x8xf32>
    %get3A_139 = arith.constant 0 : index
    %get3A_140 = arith.constant 0 : index
    %get3A_141 = vector.load %arg1[%get3A_139, %get3A_140] : memref<25x8xf32, #tpu.memory_space<vmem>>, vector<25x8xf32>
    %mul3A_142 = arith.mulf %get3A_138, %get3A_141 : vector<25x8xf32>
    %reduce_sum3A = arith.constant dense<0.000000e+00> : vector<25xf32>
    %reduce_sum3A_143 = vector.multi_reduction <add>, %mul3A_142, %reduce_sum3A [1] : vector<25x8xf32> to vector<25xf32>
    %broadcast_in_dim3A_144 = vector.shape_cast %reduce_sum3A_143 : vector<25xf32> to vector<25x1xf32>
    %get3A_145 = arith.constant 0 : index
    %get3A_146 = arith.constant 0 : index
    %get3A_147 = vector.load %arg2[%get3A_145, %get3A_146] : memref<8x8xf32, #tpu.memory_space<vmem>>, vector<8x8xf32>
    %get3A_148 = arith.constant 0 : index
    %get3A_149 = arith.constant 0 : index
    %get3A_150 = vector.load %arg2[%get3A_148, %get3A_149] : memref<8x8xf32, #tpu.memory_space<vmem>>, vector<8x8xf32>
    %mul3A_151 = arith.mulf %get3A_147, %get3A_150 : vector<8x8xf32>
    %reduce_sum3A_152 = arith.constant dense<0.000000e+00> : vector<8xf32>
    %reduce_sum3A_153 = vector.multi_reduction <add>, %mul3A_151, %reduce_sum3A_152 [1] : vector<8x8xf32> to vector<8xf32>
    %broadcast_in_dim3A_154 = vector.shape_cast %reduce_sum3A_153 : vector<8xf32> to vector<8x1xf32>
    %get3A_155 = arith.constant 0 : index
    %get3A_156 = arith.constant 0 : index
    %get3A_157 = vector.load %arg3[%get3A_155, %get3A_156] : memref<3x2xf32, #tpu.memory_space<vmem>>, vector<3x2xf32>
    %get3A_158 = arith.constant 0 : index
    %get3A_159 = arith.constant 0 : index
    %get3A_160 = vector.load %arg3[%get3A_158, %get3A_159] : memref<3x2xf32, #tpu.memory_space<vmem>>, vector<3x2xf32>
    %mul3A_161 = arith.mulf %get3A_157, %get3A_160 : vector<3x2xf32>
    %reduce_sum3A_162 = arith.constant dense<0.000000e+00> : vector<3xf32>
    %reduce_sum3A_163 = vector.multi_reduction <add>, %mul3A_161, %reduce_sum3A_162 [1] : vector<3x2xf32> to vector<3xf32>
    %broadcast_in_dim3A_164 = vector.shape_cast %reduce_sum3A_163 : vector<3xf32> to vector<3x1xf32>
    %dot_general3A_165 = arith.constant dense<0.000000e+00> : vector<13x1xf32>
    %dot_general3A_166 = tpu.matmul %convert_element_type3A_83, %broadcast_in_dim3A_154, %dot_general3A_165 {dimension_numbers = #tpu.dot_dimension_numbers<[1], [0], [0], [1], [0, 0, 1, 1], [], []>, transpose_lhs_hint = false} : vector<13x8xf32>, vector<8x1xf32>, vector<13x1xf32> -> vector<13x1xf32>
    %dot_general3A_167 = arith.constant dense<0.000000e+00> : vector<13x1xf32>
    %dot_general3A_168 = tpu.matmul %convert_element_type3A_78, %broadcast_in_dim3A_144, %dot_general3A_167 {dimension_numbers = #tpu.dot_dimension_numbers<[1], [0], [0], [1], [0, 0, 1, 1], [], []>, transpose_lhs_hint = false} : vector<13x25xf32>, vector<25x1xf32>, vector<13x1xf32> -> vector<13x1xf32>
    %add3A_169 = arith.addf %dot_general3A_166, %dot_general3A_168 : vector<13x1xf32>
    %dot_general3A_170 = arith.constant dense<0.000000e+00> : vector<13x1xf32>
    %dot_general3A_171 = tpu.matmul %convert_element_type3A_88, %broadcast_in_dim3A_164, %dot_general3A_170 {dimension_numbers = #tpu.dot_dimension_numbers<[1], [0], [0], [1], [0, 0, 1, 1], [], []>, transpose_lhs_hint = false} : vector<13x3xf32>, vector<3x1xf32>, vector<13x1xf32> -> vector<13x1xf32>
    %add3A_172 = arith.addf %add3A_169, %dot_general3A_171 : vector<13x1xf32>
    %mul3A_173 = arith.mulf %get3A_96, %get3A_96 : vector<23x16xf32>
    %reduce_sum3A_174 = arith.constant dense<0.000000e+00> : vector<23xf32>
    %reduce_sum3A_175 = vector.multi_reduction <add>, %mul3A_173, %reduce_sum3A_174 [1] : vector<23x16xf32> to vector<23xf32>
    %broadcast_in_dim3A_176 = vector.shape_cast %reduce_sum3A_175 : vector<23xf32> to vector<23x1xf32>
    %reshape3A = vector.shape_cast %add3A_172 : vector<13x1xf32> to vector<13x1x1xf32>
    %reshape3A_177 = vector.shape_cast %broadcast_in_dim3A_176 : vector<23x1xf32> to vector<1x23x1xf32>
    %add3A_178 = vector.broadcast %reshape3A : vector<13x1x1xf32> to vector<13x23x1xf32>
    %add3A_179 = vector.broadcast %reshape3A_177 : vector<1x23x1xf32> to vector<13x23x1xf32>
    %add3A_180 = arith.addf %add3A_178, %add3A_179 : vector<13x23x1xf32>
    %mul3A_181 = arith.constant 0.0294117648 : f32
    %mul3A_182 = vector.broadcast %mul3A_181 : f32 to vector<13x23x1xf32>
    %mul3A_183 = arith.mulf %add3A_180, %mul3A_182 : vector<13x23x1xf32>
    %add3A_184 = arith.constant 1.1920929E-7 : f32
    %add3A_185 = vector.broadcast %add3A_184 : f32 to vector<13x23x1xf32>
    %add3A_186 = arith.addf %mul3A_183, %add3A_185 : vector<13x23x1xf32>
    %rsqrt3A = math.rsqrt %add3A_186 : vector<13x23x1xf32>
    %reshape3A_187 = vector.shape_cast %add3A_135 : vector<13x128xf32> to vector<13x1x128xf32>
    %reshape3A_188 = vector.shape_cast %dot_general3A_127 : vector<23x128xf32> to vector<1x23x128xf32>
    %add3A_189 = vector.broadcast %reshape3A_187 : vector<13x1x128xf32> to vector<13x23x128xf32>
    %add3A_190 = vector.broadcast %reshape3A_188 : vector<1x23x128xf32> to vector<13x23x128xf32>
    %add3A_191 = arith.addf %add3A_189, %add3A_190 : vector<13x23x128xf32>
    %mul3A_192 = vector.broadcast %rsqrt3A : vector<13x23x1xf32> to vector<13x23x128xf32>
    %mul3A_193 = arith.mulf %mul3A_192, %add3A_191 : vector<13x23x128xf32>
    %swap3A = arith.constant 0 : index
    %swap3A_194 = arith.constant 0 : index
    %swap3A_195 = arith.constant 0 : index
    %swap3A_196 = vector.load %arg7[%swap3A, %swap3A_194, %swap3A_195] : memref<13x23x128xf32, #tpu.memory_space<vmem>>, vector<13x23x128xf32>
    tpu.vector_store %arg7[%swap3A, %swap3A_194, %swap3A_195], %mul3A_193 {strides = array<i32>} : memref<13x23x128xf32, #tpu.memory_space<vmem>>, vector<13x23x128xf32>,
    return
  }
  func.func @transform_0(%arg0: i32) -> (i32, i32) {
    %c0_i32 = arith.constant 0 : i32
    %c0_i32_0 = arith.constant 0 : i32
    %c0_i32_1 = arith.constant 0 : i32
    return %c0_i32, %c0_i32_0 : i32, i32
  }
  func.func @transform_1(%arg0: i32) -> (i32, i32) {
    %c0_i32 = arith.constant 0 : i32
    %c0_i32_0 = arith.constant 0 : i32
    %c0_i32_1 = arith.constant 0 : i32
    return %c0_i32, %c0_i32_0 : i32, i32
  }
  func.func @transform_2(%arg0: i32) -> (i32, i32) {
    %c0_i32 = arith.constant 0 : i32
    %c0_i32_0 = arith.constant 0 : i32
    %c0_i32_1 = arith.constant 0 : i32
    return %c0_i32, %c0_i32_0 : i32, i32
  }
  func.func @transform_3(%arg0: i32) -> (i32, i32) {
    %c0_i32 = arith.constant 0 : i32
    %c0_i32_0 = arith.constant 0 : i32
    %c0_i32_1 = arith.constant 0 : i32
    return %c0_i32, %c0_i32_0 : i32, i32
  }
  func.func @transform_4(%arg0: i32) -> (i32, i32) {
    %c0_i32 = arith.constant 0 : i32
    %c0_i32_0 = arith.constant 0 : i32
    %c0_i32_1 = arith.constant 0 : i32
    return %c0_i32, %c0_i32_0 : i32, i32
  }
  func.func @transform_5(%arg0: i32) -> (i32, i32) {
    %c0_i32 = arith.constant 0 : i32
    %c0_i32_0 = arith.constant 0 : i32
    %c0_i32_1 = arith.constant 0 : i32
    return %c0_i32, %c0_i32_0 : i32, i32
  }
  func.func @transform_6(%arg0: i32) -> (i32, i32, i32) {
    %c0_i32 = arith.constant 0 : i32
    %c0_i32_0 = arith.constant 0 : i32
    %c0_i32_1 = arith.constant 0 : i32
    return %arg0, %c0_i32, %c0_i32_0 : i32, i32, i32
  }
}

module attributes {stable_mosaic.version = 14 : i64} {
  func.func @_idx_body(%arg0: i32, %arg1: memref<512x200xi32, #tpu.memory_space<vmem>>, %arg2: memref<512x200xi32, #tpu.memory_space<vmem>>, %arg3: memref<512x200xi32, #tpu.memory_space<vmem>>, %arg4: memref<512x200xi32, #tpu.memory_space<vmem>>) attributes {dimension_semantics = [#tpu.dimension_semantics<arbitrary>], iteration_bounds = array<i64: 8>, scalar_prefetch = 0 : i64, scratch_operands = 0 : i64, tpu.core_type = #tpu.core_type<tc>, window_params = [{transform_indices = @transform_0, window_bounds = array<i64: 512, 200>}, {transform_indices = @transform_1, window_bounds = array<i64: 512, 200>}, {transform_indices = @transform_2, window_bounds = array<i64: 512, 200>}, {transform_indices = @transform_3, window_bounds = array<i64: 512, 200>}]} {
    %get3A = arith.constant 0 : index
    %get3A_0 = arith.constant 0 : index
    %get3A_1 = vector.load %arg1[%get3A, %get3A_0] : memref<512x200xi32, #tpu.memory_space<vmem>>, vector<512x200xi32>
    %ne3A = arith.constant 0 : i32
    %ne3A_2 = vector.broadcast %ne3A : i32 to vector<512x200xi32>
    %ne3A_3 = arith.cmpi ne, %get3A_1, %ne3A_2 : vector<512x200xi32>
    %jit3A = arith.constant 3600 : i32
    %div3A = vector.broadcast %jit3A : i32 to vector<512x200xi32>
    %div3A_4 = arith.divsi %get3A_1, %div3A : vector<512x200xi32>
    %sign3A = arith.constant 0 : i32
    %sign3A_5 = vector.broadcast %sign3A : i32 to vector<512x200xi32>
    %sign3A_6 = arith.cmpi sgt, %get3A_1, %sign3A_5 : vector<512x200xi32>
    %sign3A_7 = arith.extui %sign3A_6 : vector<512x200xi1> to vector<512x200xi32>
    %sign3A_8 = arith.constant 0 : i32
    %sign3A_9 = vector.broadcast %sign3A_8 : i32 to vector<512x200xi32>
    %sign3A_10 = arith.cmpi slt, %get3A_1, %sign3A_9 : vector<512x200xi32>
    %sign3A_11 = arith.extui %sign3A_10 : vector<512x200xi1> to vector<512x200xi32>
    %sign3A_12 = arith.subi %sign3A_7, %sign3A_11 : vector<512x200xi32>
    %sign3A_13 = arith.constant 0 : i32
    %sign3A_14 = arith.cmpi sgt, %jit3A, %sign3A_13 : i32
    %sign3A_15 = arith.extui %sign3A_14 : i1 to i32
    %sign3A_16 = arith.constant 0 : i32
    %sign3A_17 = arith.cmpi slt, %jit3A, %sign3A_16 : i32
    %sign3A_18 = arith.extui %sign3A_17 : i1 to i32
    %sign3A_19 = arith.subi %sign3A_15, %sign3A_18 : i32
    %ne3A_20 = vector.broadcast %sign3A_19 : i32 to vector<512x200xi32>
    %ne3A_21 = arith.cmpi ne, %sign3A_12, %ne3A_20 : vector<512x200xi32>
    %rem3A = vector.broadcast %jit3A : i32 to vector<512x200xi32>
    %rem3A_22 = arith.remsi %get3A_1, %rem3A : vector<512x200xi32>
    %ne3A_23 = arith.constant 0 : i32
    %ne3A_24 = vector.broadcast %ne3A_23 : i32 to vector<512x200xi32>
    %ne3A_25 = arith.cmpi ne, %rem3A_22, %ne3A_24 : vector<512x200xi32>
    %and3A = arith.andi %ne3A_21, %ne3A_25 : vector<512x200xi1>
    %sub3A = arith.constant 1 : i32
    %sub3A_26 = vector.broadcast %sub3A : i32 to vector<512x200xi32>
    %sub3A_27 = arith.subi %div3A_4, %sub3A_26 : vector<512x200xi32>
    %select_n3A = arith.select %and3A, %sub3A_27, %div3A_4 : vector<512x200xi1>, vector<512x200xi32>
    %jit3A_28 = arith.constant 24 : i32
    %eq3A = arith.constant 0 : i32
    %eq3A_29 = arith.cmpi eq, %jit3A_28, %eq3A : i32
    %jit3A_30 = arith.constant 1 : i32
    %select_n3A_31 = arith.select %eq3A_29, %jit3A_30, %jit3A_28 : i32
    %rem3A_32 = vector.broadcast %select_n3A_31 : i32 to vector<512x200xi32>
    %rem3A_33 = arith.remsi %select_n3A, %rem3A_32 : vector<512x200xi32>
    %ne3A_34 = arith.constant 0 : i32
    %ne3A_35 = vector.broadcast %ne3A_34 : i32 to vector<512x200xi32>
    %ne3A_36 = arith.cmpi ne, %rem3A_33, %ne3A_35 : vector<512x200xi32>
    %lt3A = arith.constant 0 : i32
    %lt3A_37 = vector.broadcast %lt3A : i32 to vector<512x200xi32>
    %lt3A_38 = arith.cmpi slt, %rem3A_33, %lt3A_37 : vector<512x200xi32>
    %lt3A_39 = arith.constant 0 : i32
    %lt3A_40 = arith.cmpi slt, %select_n3A_31, %lt3A_39 : i32
    %ne3A_41 = vector.broadcast %lt3A_40 : i1 to vector<512x200xi1>
    %ne3A_42 = vector.broadcast %ne3A_41 : vector<512x200xi1> to vector<512x200xi1>
    %ne3A_43 = arith.xori %lt3A_38, %ne3A_42 : vector<512x200xi1>
    %and3A_44 = arith.andi %ne3A_43, %ne3A_36 : vector<512x200xi1>
    %add3A = vector.broadcast %select_n3A_31 : i32 to vector<512x200xi32>
    %add3A_45 = arith.addi %rem3A_33, %add3A : vector<512x200xi32>
    %select_n3A_46 = arith.select %and3A_44, %add3A_45, %rem3A_33 : vector<512x200xi1>, vector<512x200xi32>
    %add3A_47 = arith.constant 1 : i32
    %add3A_48 = vector.broadcast %add3A_47 : i32 to vector<512x200xi32>
    %add3A_49 = arith.addi %select_n3A_46, %add3A_48 : vector<512x200xi32>
    %jit3A_50 = arith.constant 24 : i32
    %div3A_51 = vector.broadcast %jit3A_50 : i32 to vector<512x200xi32>
    %div3A_52 = arith.divsi %select_n3A, %div3A_51 : vector<512x200xi32>
    %sign3A_53 = arith.constant 0 : i32
    %sign3A_54 = vector.broadcast %sign3A_53 : i32 to vector<512x200xi32>
    %sign3A_55 = arith.cmpi sgt, %select_n3A, %sign3A_54 : vector<512x200xi32>
    %sign3A_56 = arith.extui %sign3A_55 : vector<512x200xi1> to vector<512x200xi32>
    %sign3A_57 = arith.constant 0 : i32
    %sign3A_58 = vector.broadcast %sign3A_57 : i32 to vector<512x200xi32>
    %sign3A_59 = arith.cmpi slt, %select_n3A, %sign3A_58 : vector<512x200xi32>
    %sign3A_60 = arith.extui %sign3A_59 : vector<512x200xi1> to vector<512x200xi32>
    %sign3A_61 = arith.subi %sign3A_56, %sign3A_60 : vector<512x200xi32>
    %sign3A_62 = arith.constant 0 : i32
    %sign3A_63 = arith.cmpi sgt, %jit3A_50, %sign3A_62 : i32
    %sign3A_64 = arith.extui %sign3A_63 : i1 to i32
    %sign3A_65 = arith.constant 0 : i32
    %sign3A_66 = arith.cmpi slt, %jit3A_50, %sign3A_65 : i32
    %sign3A_67 = arith.extui %sign3A_66 : i1 to i32
    %sign3A_68 = arith.subi %sign3A_64, %sign3A_67 : i32
    %ne3A_69 = vector.broadcast %sign3A_68 : i32 to vector<512x200xi32>
    %ne3A_70 = arith.cmpi ne, %sign3A_61, %ne3A_69 : vector<512x200xi32>
    %rem3A_71 = vector.broadcast %jit3A_50 : i32 to vector<512x200xi32>
    %rem3A_72 = arith.remsi %select_n3A, %rem3A_71 : vector<512x200xi32>
    %ne3A_73 = arith.constant 0 : i32
    %ne3A_74 = vector.broadcast %ne3A_73 : i32 to vector<512x200xi32>
    %ne3A_75 = arith.cmpi ne, %rem3A_72, %ne3A_74 : vector<512x200xi32>
    %and3A_76 = arith.andi %ne3A_70, %ne3A_75 : vector<512x200xi1>
    %sub3A_77 = arith.constant 1 : i32
    %sub3A_78 = vector.broadcast %sub3A_77 : i32 to vector<512x200xi32>
    %sub3A_79 = arith.subi %div3A_52, %sub3A_78 : vector<512x200xi32>
    %select_n3A_80 = arith.select %and3A_76, %sub3A_79, %div3A_52 : vector<512x200xi1>, vector<512x200xi32>
    %add3A_81 = arith.constant 4 : i32
    %add3A_82 = vector.broadcast %add3A_81 : i32 to vector<512x200xi32>
    %add3A_83 = arith.addi %select_n3A_80, %add3A_82 : vector<512x200xi32>
    %jit3A_84 = arith.constant 7 : i32
    %eq3A_85 = arith.constant 0 : i32
    %eq3A_86 = arith.cmpi eq, %jit3A_84, %eq3A_85 : i32
    %jit3A_87 = arith.constant 1 : i32
    %select_n3A_88 = arith.select %eq3A_86, %jit3A_87, %jit3A_84 : i32
    %rem3A_89 = vector.broadcast %select_n3A_88 : i32 to vector<512x200xi32>
    %rem3A_90 = arith.remsi %add3A_83, %rem3A_89 : vector<512x200xi32>
    %ne3A_91 = arith.constant 0 : i32
    %ne3A_92 = vector.broadcast %ne3A_91 : i32 to vector<512x200xi32>
    %ne3A_93 = arith.cmpi ne, %rem3A_90, %ne3A_92 : vector<512x200xi32>
    %lt3A_94 = arith.constant 0 : i32
    %lt3A_95 = vector.broadcast %lt3A_94 : i32 to vector<512x200xi32>
    %lt3A_96 = arith.cmpi slt, %rem3A_90, %lt3A_95 : vector<512x200xi32>
    %lt3A_97 = arith.constant 0 : i32
    %lt3A_98 = arith.cmpi slt, %select_n3A_88, %lt3A_97 : i32
    %ne3A_99 = vector.broadcast %lt3A_98 : i1 to vector<512x200xi1>
    %ne3A_100 = vector.broadcast %ne3A_99 : vector<512x200xi1> to vector<512x200xi1>
    %ne3A_101 = arith.xori %lt3A_96, %ne3A_100 : vector<512x200xi1>
    %and3A_102 = arith.andi %ne3A_101, %ne3A_93 : vector<512x200xi1>
    %add3A_103 = vector.broadcast %select_n3A_88 : i32 to vector<512x200xi32>
    %add3A_104 = arith.addi %rem3A_90, %add3A_103 : vector<512x200xi32>
    %select_n3A_105 = arith.select %and3A_102, %add3A_104, %rem3A_90 : vector<512x200xi1>, vector<512x200xi32>
    %add3A_106 = arith.constant 1 : i32
    %add3A_107 = vector.broadcast %add3A_106 : i32 to vector<512x200xi32>
    %add3A_108 = arith.addi %select_n3A_105, %add3A_107 : vector<512x200xi32>
    %sub3A_109 = arith.constant 1 : i32
    %sub3A_110 = vector.broadcast %sub3A_109 : i32 to vector<512x200xi32>
    %sub3A_111 = arith.subi %add3A_49, %sub3A_110 : vector<512x200xi32>
    %mul3A = arith.constant 7 : i32
    %mul3A_112 = vector.broadcast %mul3A : i32 to vector<512x200xi32>
    %mul3A_113 = arith.muli %sub3A_111, %mul3A_112 : vector<512x200xi32>
    %add3A_114 = arith.addi %mul3A_113, %add3A_108 : vector<512x200xi32>
    %jit3A_115 = arith.constant 0 : i32
    %broadcast_in_dim3A = vector.broadcast %jit3A_115 : i32 to vector<512x200xi32>
    %select_n3A_116 = arith.select %ne3A_3, %add3A_114, %broadcast_in_dim3A : vector<512x200xi1>, vector<512x200xi32>
    %get3A_117 = arith.constant 0 : index
    %get3A_118 = arith.constant 0 : index
    %get3A_119 = vector.load %arg2[%get3A_117, %get3A_118] : memref<512x200xi32, #tpu.memory_space<vmem>>, vector<512x200xi32>
    %convert_element_type3A = arith.sitofp %get3A_119 : vector<512x200xi32> to vector<512x200xf32>
    %log1p3A = math.log1p %convert_element_type3A : vector<512x200xf32>
    %floor3A = math.floor %log1p3A : vector<512x200xf32>
    %convert_element_type3A_120 = arith.fptosi %floor3A : vector<512x200xf32> to vector<512x200xi32>
    %jit3A_121 = arith.constant 0 : i32
    %jit3A_122 = arith.constant 21 : i32
    %max3A = vector.broadcast %jit3A_121 : i32 to vector<512x200xi32>
    %max3A_123 = arith.maxsi %max3A, %convert_element_type3A_120 : vector<512x200xi32>
    %min3A = vector.broadcast %jit3A_122 : i32 to vector<512x200xi32>
    %min3A_124 = arith.minsi %min3A, %max3A_123 : vector<512x200xi32>
    %add3A_125 = arith.constant 1 : i32
    %add3A_126 = vector.broadcast %add3A_125 : i32 to vector<512x200xi32>
    %add3A_127 = arith.addi %min3A_124, %add3A_126 : vector<512x200xi32>
    %get3A_128 = arith.constant 0 : index
    %get3A_129 = arith.constant 0 : index
    %get3A_130 = vector.load %arg3[%get3A_128, %get3A_129] : memref<512x200xi32, #tpu.memory_space<vmem>>, vector<512x200xi32>
    %get3A_131 = arith.constant dense<0> : vector<512x200xi32>
    %get3A_132 = arith.cmpi ne, %get3A_130, %get3A_131 : vector<512x200xi32>
    %jit3A_133 = arith.constant 0 : i32
    %broadcast_in_dim3A_134 = vector.broadcast %jit3A_133 : i32 to vector<512x200xi32>
    %select_n3A_135 = arith.select %get3A_132, %add3A_127, %broadcast_in_dim3A_134 : vector<512x200xi1>, vector<512x200xi32>
    %mul3A_136 = arith.constant 23 : i32
    %mul3A_137 = vector.broadcast %mul3A_136 : i32 to vector<512x200xi32>
    %mul3A_138 = arith.muli %select_n3A_116, %mul3A_137 : vector<512x200xi32>
    %add3A_139 = arith.addi %mul3A_138, %select_n3A_135 : vector<512x200xi32>
    %swap3A = arith.constant 0 : index
    %swap3A_140 = arith.constant 0 : index
    %swap3A_141 = vector.load %arg4[%swap3A, %swap3A_140] : memref<512x200xi32, #tpu.memory_space<vmem>>, vector<512x200xi32>
    tpu.vector_store %arg4[%swap3A, %swap3A_140], %add3A_139 {strides = array<i32>} : memref<512x200xi32, #tpu.memory_space<vmem>>, vector<512x200xi32>,
    return
  }
  func.func @transform_0(%arg0: i32) -> (i32, i32) {
    %c0_i32 = arith.constant 0 : i32
    %c0_i32_0 = arith.constant 0 : i32
    return %arg0, %c0_i32 : i32, i32
  }
  func.func @transform_1(%arg0: i32) -> (i32, i32) {
    %c0_i32 = arith.constant 0 : i32
    %c0_i32_0 = arith.constant 0 : i32
    return %arg0, %c0_i32 : i32, i32
  }
  func.func @transform_2(%arg0: i32) -> (i32, i32) {
    %c0_i32 = arith.constant 0 : i32
    %c0_i32_0 = arith.constant 0 : i32
    return %arg0, %c0_i32 : i32, i32
  }
  func.func @transform_3(%arg0: i32) -> (i32, i32) {
    %c0_i32 = arith.constant 0 : i32
    %c0_i32_0 = arith.constant 0 : i32
    return %arg0, %c0_i32 : i32, i32
  }
}

</mosaic_0001>

<sc_bundles>
// kernel: kernel.5.cloned.1.call-start
scs
__scs_entry_jumppad:
0x0: {  	(pc) =	sbr.rel $0x88, $3  }
0x1: {  	(tag) =	ssettag $0x0;
	lr =	simm.s32 $0x1  }
0x2: {  	[smem:$0x3F98] =	sst lr;
	_ =	strace $0xD0000000  }
0x3: {  	_ = 	snop  }
0x4: {  	_ = 	snop  }
0x5: {  	_ = 	snop  }
0x6: {  	_ = 	snop  }
0x7: {  	_ = 	snop  }
__scs_overlays_trampoline_lowered:
0x8: {  	[smem:$0x3FA7] =	sst s0  }
0x9: {  	[smem:$0x3FA8] =	sst s1  }
0xa: {  	[smem:$0x3FA9] =	sst s2  }
0xb: {  	[smem:$0x3FAA] =	sst s3  }
0xc: {  	[smem:$0x3FAB] =	sst s4  }
0xd: {  	[smem:$0x3FAC] =	sst s5  }
0xe: {  	[smem:$0x3FAD] =	sst s6  }
0xf: {  	[smem:$0x3FAE] =	sst s7  }
0x10: {  	[smem:$0x3FAF] =	sst s8  }
0x11: {  	[smem:$0x3FB0] =	sst s9;
	s0 =	simm.s32 @!p0 $0x0  }
0x12: {  	s1 =	sld [smem:$0x3F96];
	s0 =	simm.s32 @p0 $0x1  }
0x13: {  	[smem:$0x3FB1] =	sst s0;
	s0 =	simm.s32 @!p1 $0x0  }
0x14: {  	s2 =	sld [smem:$0x3F95];
	s0 =	simm.s32 @p1 $0x1  }
0x15: {  	[smem:$0x3FB2] =	sst s0;
	s0 =	simm.s32 @!p2 $0x0  }
0x16: {  	s3 =	sld [smem:$0x3FDB];
	s0 =	simm.s32 @p2 $0x1  }
0x17: {  	s4 =	simm.s32 $0x1BF5;
	[smem:$0x3FB4] =	sst s0  }
0x18: {  	s0 =	sld [smem:$0x3F97];
	_ =	swait.ge [sflag:s4], $0x0  }
0x19: {  	s7 =	sld [smem:$0x3F98]  }
0x1a: {  	s8 =	sadd.s32 $0xFFFFE003, lr  }
0x1b: {  	s9 =	sadd.s32 $0xFFFFFEF7, lr;
	s5 =	simm.s32 $0xFFFFFFFF;
	p2 =	slt.u32 s8, $0xFFFFF086  }
0x1c: {  	p1 =	slt.u32 s9, $0xF7A;
	s5 =	simm.s32 @!p2 $0x0  }
0x1d: {  	s5 =	simm.s32 @p1 $0x1;
	p0 =	seq.s32 s7, s2  }
0x1e: {  	s7 =	smul.u32 @!p0 $0xF7A, s2;
	p2 =	seq.s32 @!p0 s5, $0x0  }
0x1f: {  	s9 =	smul.u32 $0xF7A, s1;
	s8 =	simm.s32 @!p0 $0x1BF5;
	p2 =	por !p2, p0  }
0x20: {  	[sflag:s8] =	ssyncset.s32 @!p0 $0xFFFFF086;
	s6 =	sadd.s32 @!p0 s3, s7;
	s7 =	simm.s32 @!p0 $0x108  }
0x21: {  	s3 =	sadd.s32 s3, s9;
	s6 =	sadd.s32 @!p0 $0x88, s6;
	s7 =	simm.s32 @p2 $0x1082  }
0x22: {  	[simem:s7], [sflag:s8] =	dma.local @!p0 [hbm:s6], $0xF7A  }
0x23: {  	s9 =	sor.u32 $0xD0000000, s2;
	s6 =	simm.s32 $0x108;
	_ =	swait.ge @!p0 [sflag:s8], $0x0  }
0x24: {  	s3 =	sadd.s32 $0x88, s3;
	s6 =	simm.s32 @!p1 $0x1082;
	[sflag:s4] =	ssyncset.s32 $0xFFFFF086  }
0x25: {  	[simem:s6], [sflag:s4] =	dma.local [hbm:s3], $0xF7A  }
0x26: {  	[smem:$0x3F98] =	sst s1;
	(tag) =	ssettag s2;
	_ =	strace s9  }
0x27: {  	s1 =	sld [smem:$0x3FA8]  }
0x28: {  	s2 =	sld [smem:$0x3FA9]  }
0x29: {  	s4 =	sld [smem:$0x3FAB]  }
0x2a: {  	p0 =	seq.s32 s5, $0x0;
	s5 =	sld [smem:$0x3FAC]  }
0x2b: {  	s6 =	sld [smem:$0x3FAD]  }
0x2c: {  	s7 =	sld [smem:$0x3FAE]  }
0x2d: {  	s3 =	simm.s32 $0x108;
	s8 =	sld [smem:$0x3FAF]  }
0x2e: {  	s3 =	simm.s32 @!p0 $0x1082;
	s9 =	sld [smem:$0x3FB0]  }
0x2f: {  	lr =	sadd.s32 s0, s3;
	s0 =	sld [smem:$0x3FA7]  }
0x30: {  	s3 =	sld [smem:$0x3FAA]  }
0x31: {  	[smem:$0x3FB3] =	sst s10  }
0x32: {  	s10 =	sld [smem:$0x3FB1];
	_ =	sdelay $0x3  }
0x33: {  	p0 =	seq.s32 s10, $0x1;
	s10 =	sld [smem:$0x3FB3];
	_ =	sdelay $0x3  }
0x34: {  	[smem:$0x3FB3] =	sst s10  }
0x35: {  	s10 =	sld [smem:$0x3FB2];
	_ =	sdelay $0x3  }
0x36: {  	p1 =	seq.s32 s10, $0x1;
	s10 =	sld [smem:$0x3FB3];
	_ =	sdelay $0x3  }
0x37: {  	[smem:$0x3FB3] =	sst s10  }
0x38: {  	s10 =	sld [smem:$0x3FB4]  }
0x39: {  	_ = 	snop;
	(pc) =	sbr.ind lr, $3  }
0x3a: {  	_ = 	snop  }
0x3b: {  	_ = 	snop  }
0x3c: {  	p2 =	seq.s32 s10, $0x1;
	s10 =	sld [smem:$0x3FB3]  }
0x3d: {  	_ =	shalt  }
0x3e: {  	_ =	shalt  }
0x3f: {  	_ =	shalt  }
0x40: {  	_ =	shalt  }
0x41: {  	_ =	shalt  }
0x42: {  	_ =	shalt  }
0x43: {  	_ =	shalt  }
0x44: {  	_ =	shalt  }
0x45: {  	_ =	shalt  }
0x46: {  	_ =	shalt  }
0x47: {  	_ =	shalt  }
0x48: {  	_ =	shalt  }
0x49: {  	_ =	shalt  }
0x4a: {  	_ =	shalt  }
0x4b: {  	_ =	shalt  }
0x4c: {  	_ =	shalt  }
0x4d: {  	_ =	shalt  }
0x4e: {  	_ =	shalt  }
0x4f: {  	_ =	shalt  }
0x50: {  	_ =	shalt  }
0x51: {  	_ =	shalt  }
0x52: {  	_ =	shalt  }
0x53: {  	_ =	shalt  }
0x54: {  	_ =	shalt  }
0x55: {  	_ =	shalt  }
0x56: {  	_ =	shalt  }
0x57: {  	_ =	shalt  }
0x58: {  	_ =	shalt  }
0x59: {  	_ =	shalt  }
0x5a: {  	_ =	shalt  }
0x5b: {  	_ =	shalt  }
0x5c: {  	_ =	shalt  }
0x5d: {  	_ =	shalt  }
0x5e: {  	_ =	shalt  }
0x5f: {  	_ =	shalt  }
0x60: {  	_ =	shalt  }
0x61: {  	_ =	shalt  }
0x62: {  	_ =	shalt  }
0x63: {  	_ =	shalt  }
0x64: {  	_ =	shalt  }
0x65: {  	_ =	shalt  }
0x66: {  	_ =	shalt  }
0x67: {  	_ =	shalt  }
0x68: {  	_ =	shalt  }
0x69: {  	_ =	shalt  }
0x6a: {  	_ =	shalt  }
0x6b: {  	_ =	shalt  }
0x6c: {  	_ =	shalt  }
0x6d: {  	_ =	shalt  }
0x6e: {  	_ =	shalt  }
0x6f: {  	_ =	shalt  }
0x70: {  	_ =	shalt  }
0x71: {  	_ =	shalt  }
0x72: {  	_ =	shalt  }
0x73: {  	_ =	shalt  }
0x74: {  	_ =	shalt  }
0x75: {  	_ =	shalt  }
0x76: {  	_ =	shalt  }
0x77: {  	_ =	shalt  }
0x78: {  	_ =	shalt  }
0x79: {  	_ =	shalt  }
0x7a: {  	_ =	shalt  }
0x7b: {  	_ =	shalt  }
0x7c: {  	_ =	shalt  }
0x7d: {  	_ =	shalt  }
0x7e: {  	_ =	shalt  }
0x7f: {  	_ =	shalt  }
0x80: {  	_ =	shalt  }
0x81: {  	_ =	shalt  }
0x82: {  	_ =	shalt  }
0x83: {  	_ =	shalt  }
0x84: {  	_ =	shalt  }
0x85: {  	_ =	shalt  }
0x86: {  	_ =	shalt  }
0x87: {  	_ =	shalt  }
.Lfunc_end0:
.L_simem_size_0:
called_computation_lowered:
.L_overlay_start_0:
0x88: {  	s2 =	sld [smem:$0x3FD9]  }
0x89: {  	s3 =	sld [smem:$0x3FFE];
	_ =	sdelay $0x1  }
0x8a: {  	s1 =	srdreg.scid  }
0x8b: {  	s0 =	sand.u32 $0x1, s1  }
0x8c: {  	s17 =	sshll.u32 s0, $0xA;
	s2 =	sadd.s32 s3, s2  }
0x8d: {  	s2 =	sadd.s32 s2, s17  }
0x8e: {  	[smem:$0x3FBF] =	sst s2  }
0x8f: {  	_ = 	snop  }
0x90: {  	s2 =	sld [smem:$0x3FD0];
	(tm) =	ssettm $0x1  }
0x91: {  	s18 =	sld [smem:$0x3FFB];
	_ =	sdelay $0x3  }
0x92: {  	_ =	strace s18  }
0x93: {  	s3 =	sld [smem:$0x3FFC];
	_ =	sdelay $0x3  }
0x94: {  	_ =	strace s3  }
0x95: {  	s3 =	sld [smem:$0x3FFD];
	_ =	sdelay $0x3  }
0x96: {  	_ =	strace s3  }
0x97: {  	_ =	strace $0x8FFFFFFF  }
0x98: {  	s19 =	sld [smem:$0x3FDB];
	_ =	sdelay $0x1  }
0x99: {  	s4 =	simm.s32 $_scs_section_size  }
0x9a: {  	s5 =	simm.s32 $_size__tile_overlayer_lowered;
	s6 =	simm.s32 $_tile_overlayer_lowered  }
0x9b: {  	s22 =	simm.s32 $0x1BFF;
	s21 =	sshll.u32 s6, $0x1;
	s3 =	sadd.s32 s4, s19  }
0x9c: {  	s7 =	simm.s32 $0x0;
	s20 =	sshll.u32 s5, $0x1;
	s5 =	sadd.s32 s21, s3  }
0x9d: {  	[timem:s7], [sflag:s22] =	dma.local [hbm:s5], s20  }
0x9e: {  	_ =	swait.ge [sflag:s22], s20  }
0x9f: {  	s4 =	ssub.s32 $0x0, s20;
	[sflag:s22] =	ssyncset.done $0x0  }
0xa0: {  	[sflag:s22] =	ssyncadd.s32 s4;
	_ =	sdelay $0x1  }
0xa1: {  	s23 =	simm.s32 $0x1B8B  }
0xa2: {  	_ =	swait.ge [sflag:s23], $0x1  }
0xa3: {  	[sflag:s23] =	ssyncset.done $0x0  }
0xa4: {  	s25 =	simm.s32 $0x1B8E;
	s24 =	sld [smem:$0x3FFE];
	[sflag:s23] =	ssyncadd.s32 $0xFFFFFFFF  }
0xa5: {  	s26 =	simm.s32 $execute0_lowered;
	[smem:$0x3FD2] =	sst s25  }
0xa6: {  	s5 =	sshll.u32 s26, $0x1;
	_ =	strace $0x80000046;
	[dreg:$0x1] =	wrdreg $0xFFFFFFFF  }
0xa7: {  	s28 =	simm.s32 $_size_execute0_lowered;
	s3 =	sadd.s32 s3, s5;
	[dreg:$0x0] =	wrdreg $0x0  }
0xa8: {  	s5 =	sshll.u32 s28, $0x1;
	[dreg:$0x2] =	wrdreg s3  }
0xa9: {  	[dreg:$0x3] =	wrdreg s5  }
0xaa: {  	[dreg:$0x4] =	wrdreg $0xC0  }
0xab: {  	_ =	task [dreg:s7], $0x5FFFF  }
0xac: {  	[dreg:$0x1] =	wrdreg $0xFFFFFFFF  }
0xad: {  	[dreg:$0x0] =	wrdreg $0x60  }
0xae: {  	[dreg:$0x2] =	wrdreg s24  }
0xaf: {  	[dreg:$0x3] =	wrdreg s2  }
0xb0: {  	[dreg:$0x4] =	wrdreg $0x164000  }
0xb1: {  	[dreg:$0x5] =	wrdreg $0x9  }
0xb2: {  	_ =	task.clear_ibuf [dreg:s7], $0x6FFFF;
	_ =	strace $0x90000046  }
0xb3: {  	s29 =	simm.s32 $0x9;
	_ =	strace $0x80000048  }
0xb4: {  	_ =	swait.ge [sflag:s29], $0x1  }
0xb5: {  	[sflag:s29] =	ssyncadd.s32 $0xFFFFFFFF  }
0xb6: {  	_ =	strace $0x90000048  }
0xb7: {  	_ =	sfence  }
0xb8: {  	s30 =	sld [smem:$0x0];
	_ =	sdelay $0x2  }
0xb9: {  	s31 =	sshll.u32 s1, $0xD;
	s1 =	sshrl.u32 s1, $0x2  }
0xba: {  	s3 =	sand.u32 $0x4000, s31;
	s1 =	sadd.s32 s1, s30  }
0xbb: {  	s0 =	sor.u32 s3, s0;
	s1 =	sshll.u32 s1, $0x11  }
0xbc: {  	s0 =	sor.u32 s1, s0  }
0xbd: {  	s0 =	sadd.s32 $0x8F2B, s0  }
0xbe: {  	[sflag:s0] =	ssyncadd.remote.s32 $0x1  }
0xbf: {  	_ =	sfence.sel $0xFFFF  }
0xc0: {  	[dreg:$0x0] =	wrdreg $0xFFFFFFFF;
	(pc) =	sbr.abs _section_cstart, $3  }
0xc1: {  	[dreg:$0x1] =	wrdreg $0xFFFFFFFF  }
0xc2: {  	_ =	task.clear_ibuf [dreg:s7], $0x2FFFF;
	_ =	strace $0x9FFFFFFF  }
0xc3: {  	(tm) =	ssettm $0x7FFFFFFF  }
tec
execute0_lowered:
.L_overlay_start_1:
0x0: {  	(tag) =	ssettag $0x1  }
0x1: {  	s0 =	rddreg [dreg:$0x0]  }
0x2: {  	s1 =	rddreg [dreg:$0x1];
	s10 =	stileid.u32  }
0x3: {  	s3 =	srdreg.scid;
	s2 =	rddreg [dreg:$0x2]  }
0x4: {  	s14 =	simm.s32 $0x9;
	s15 =	simm.s32 $0x80;
	s16 =	simm.s32 $0x6400  }
0x5: {  	s17 =	simm.s32 $0xA400;
	s19 =	simm.s32 $0xE400;
	s28 =	simm.s32 $0x7  }
0x6: {  	s29 =	simm.s32 $0x4;
	s30 =	simm.s32 $0x8;
	s6 =	smul.u32 $0xF80, s10  }
0x7: {  	s31 =	simm.s32 $0x0;
	s7 =	sand.u32 $0x1, s3;
	s9 =	smul.u32 $0x1F000, s10  }
0x8: {  	s4 =	sshll.u32 s10, $0x1;
	s24 =	sshll.u32 s10, $0x6;
	s10 =	smul.u32 $0xC8000, s10  }
0x9: {  	s3 =	simm.s32 $0x0;
	s4 =	sor.u32 s7, s4;
	s12 =	smul.u32 $0x64000, s7  }
0xa: {  	[smem:$0x7FF] =	sst s3;
	s8 =	ssub.s32 $0x2, s7;
	s5 =	smul.u32 $0x6400, s4  }
0xb: {  	_ =	strace $0x80000047;
	s6 =	sadd.s32 s6, s0;
	s23 =	smul.u32 $0x64000, s4  }
0xc: {  	s21 =	sshrl.u32 s8, $0x1;
	s22 =	sshrl.u32 s9, $0x2;
	s25 =	smul.u32 $0x320000, s4  }
0xd: {  	s11 =	ssub.s32 s8, s21;
	s13 =	sadd.s32 s22, s2;
	s4 =	sadd.s32 $0x19E00, s6  }
0xe: {  	s21 =	simm.s32 $0x12400;
	s22 =	simm.s32 $0x1;
	s5 =	sshrl.u32 s5, $0x3  }
0xf: {  	s26 =	sshrl.u32 s25, $0x3;
	s7 =	sadd.s32 s1, s23;
	s11 =	smax.u32 s11, $0x1  }
0x10: {  	s13 =	sshrl.u32 s13, $0x3;
	s23 =	simm.s32 $0x5;
	s25 =	simm.s32 $0x6  }
0x11: {  	s0 =	sadd.s32 s5, s0;
	s5 =	sor.u32 $0x1C09, s24;
	s24 =	simm.s32 $0x2  }
0x12: {  	s6 =	sadd.s32 $0xE00, s0;
	s0 =	sadd.s32 s1, s26;
	s1 =	sadd.s32 s10, s1  }
0x13: {  	s26 =	simm.s32 $0x3;
	s8 =	sadd.s32 $0x62800, s0;
	s1 =	sadd.s32 s12, s1  }
0x14: {  	s9 =	sadd.s32 $0x63000, s0;
	s10 =	sadd.s32 $0x63800, s0;
	s12 =	sadd.s32 $0x1000, s1  }
.LBB2_1:
0x15: {  	[spmem:s13], [sflag:s5] =	dma.local [hbm:s4], $0xF80  }
0x16: {  	_ =	swait.ge [sflag:s14], $0xF80  }
0x17: {  	[sflag:s14] =	ssyncset.done $0x0  }
0x18: {  	[sflag:s14] =	ssyncadd.s32 $0xFFFFF080  }
0x19: {  	[tilespmem:s3], [sflag:$0x9] =	stream.linear.gather [hbm4b:s6+s3], $0x6400, $0x38;
	[tilespmem:$0x1E000] =	vst v63  }
0x1a: {  	_ =	swait.ge [sflag:s14], $0x6400  }
0x1b: {  	[sflag:s14] =	ssyncset.done $0x0  }
0x1c: {  	[sflag:s14] =	ssyncadd.s32 $0xFFFF9C00  }
0x1d: {  	[bflag:$0x0] =	sbarrier.arrive $0xFFFF  }
0x1e: {  	[tilespmem:s16], [sflag:$0x1] =	stream.indirect.gather [spmem:s2], $0x80, s3, s15, $0xb8;
	[tilespmem:$0x1E000] =	vst v63  }
0x1f: {  	_ = 	snop  }
0x20: {  	[tilespmem:s17], [sflag:$0x2] =	stream.indirect.gather [spmem:s2], $0x80, s15, s15, $0xb8;
	[tilespmem:$0x1E000] =	vst v63  }
0x21: {  	s0 =	simm.s32 $0x100  }
0x22: {  	[tilespmem:s19], [sflag:$0x3] =	stream.indirect.gather [spmem:s2], $0x80, s0, s15, $0xb8;
	[tilespmem:$0x1E000] =	vst v63  }
0x23: {  	s20 =	simm.s32 $0x180  }
0x24: {  	[tilespmem:s21], [sflag:$0x4] =	stream.indirect.gather [spmem:s2], $0x80, s20, s15, $0xb8;
	[tilespmem:$0x1E000] =	vst v63  }
0x25: {  	_ =	swait.ge [sflag:s22], $0x4000  }
0x26: {  	[sflag:s22] =	ssyncset.done $0x0  }
0x27: {  	[sflag:s22] =	ssyncadd.s32 $0xFFFFC000  }
0x28: {  	[hbm4b:s7+s3] =	stream.linear.scatter [tilespmem:s16], [sflag:$0x5], $0x4000, $0x38;
	[tilespmem:$0x1E000] =	vst v63  }
0x29: {  	_ =	swait.ge [sflag:s23], $0x4000  }
0x2a: {  	[sflag:s23] =	ssyncset.done $0x0  }
0x2b: {  	s1 =	simm.s32 $0x200;
	[sflag:s23] =	ssyncadd.s32 $0xFFFFC000  }
0x2c: {  	[tilespmem:s16], [sflag:$0x1] =	stream.indirect.gather [spmem:s2], $0x80, s1, s15, $0xb8;
	[tilespmem:$0x1E000] =	vst v63  }
0x2d: {  	_ =	swait.ge [sflag:s24], $0x4000  }
0x2e: {  	[sflag:s24] =	ssyncset.done $0x0  }
0x2f: {  	s18 =	sadd.s32 $0xFFFFF800, s12;
	[sflag:s24] =	ssyncadd.s32 $0xFFFFC000  }
0x30: {  	[hbm4b:s18+s3] =	stream.linear.scatter [tilespmem:s17], [sflag:$0x6], $0x4000, $0x38;
	[tilespmem:$0x1E000] =	vst v63  }
0x31: {  	_ =	swait.ge [sflag:s25], $0x4000  }
0x32: {  	[sflag:s25] =	ssyncset.done $0x0  }
0x33: {  	s20 =	simm.s32 $0x280;
	[sflag:s25] =	ssyncadd.s32 $0xFFFFC000  }
0x34: {  	[tilespmem:s17], [sflag:$0x2] =	stream.indirect.gather [spmem:s2], $0x80, s20, s15, $0xb8;
	[tilespmem:$0x1E000] =	vst v63  }
0x35: {  	_ =	swait.ge [sflag:s26], $0x4000  }
0x36: {  	[sflag:s26] =	ssyncset.done $0x0  }
0x37: {  	[sflag:s26] =	ssyncadd.s32 $0xFFFFC000  }
0x38: {  	[hbm4b:s12+s3] =	stream.linear.scatter [tilespmem:s19], [sflag:$0x7], $0x4000, $0x38;
	[tilespmem:$0x1E000] =	vst v63  }
0x39: {  	_ =	swait.ge [sflag:s28], $0x4000  }
0x3a: {  	[sflag:s28] =	ssyncset.done $0x0  }
0x3b: {  	s1 =	simm.s32 $0x300;
	[sflag:s28] =	ssyncadd.s32 $0xFFFFC000  }
0x3c: {  	[tilespmem:s19], [sflag:$0x3] =	stream.indirect.gather [spmem:s2], $0x80, s1, s15, $0xb8;
	[tilespmem:$0x1E000] =	vst v63  }
0x3d: {  	_ =	swait.ge [sflag:s29], $0x4000  }
0x3e: {  	[sflag:s29] =	ssyncset.done $0x0  }
0x3f: {  	s18 =	sadd.s32 $0x800, s12;
	[sflag:s29] =	ssyncadd.s32 $0xFFFFC000  }
0x40: {  	[hbm4b:s18+s3] =	stream.linear.scatter [tilespmem:s21], [sflag:$0x8], $0x4000, $0x38;
	[tilespmem:$0x1E000] =	vst v63  }
0x41: {  	_ =	swait.ge [sflag:s30], $0x4000  }
0x42: {  	[sflag:s30] =	ssyncset.done $0x0  }
0x43: {  	s20 =	simm.s32 $0x380;
	[sflag:s30] =	ssyncadd.s32 $0xFFFFC000  }
0x44: {  	[tilespmem:s21], [sflag:$0x4] =	stream.indirect.gather [spmem:s2], $0x80, s20, s15, $0xb8;
	[tilespmem:$0x1E000] =	vst v63  }
0x45: {  	_ =	swait.ge [sflag:s22], $0x4000  }
0x46: {  	s0 =	sadd.s32 $0x2000, s12;
	[sflag:s22] =	ssyncset.done $0x0  }
0x47: {  	s1 =	simm.s32 $0x800;
	s18 =	sadd.s32 $0x1000, s12;
	[sflag:s22] =	ssyncadd.s32 $0xFFFFC000  }
.LBB2_2:
0x48: {  	[hbm4b:s18+s3] =	stream.linear.scatter [tilespmem:s16], [sflag:$0x5], $0x4000, $0x38;
	[tilespmem:$0x1E000] =	vst v63  }
0x49: {  	s18 =	smov.u32 s1  }
0x4a: {  	p0 =	sne.s32 s1, $0x18000;
	s1 =	sadd.s32 $0x800, s1;
	_ =	swait.ge [sflag:s23], $0x4000  }
0x4b: {  	s18 =	sshra.s32 s18, $0x2;
	[sflag:s23] =	ssyncset.done $0x0  }
0x4c: {  	s20 =	sadd.s32 $0x200, s18;
	[sflag:s23] =	ssyncadd.s32 $0xFFFFC000  }
0x4d: {  	[tilespmem:s16], [sflag:$0x1] =	stream.indirect.gather [spmem:s2], $0x80, s20, s15, $0xb8;
	[tilespmem:$0x1E000] =	vst v63  }
0x4e: {  	_ =	swait.ge [sflag:s24], $0x4000  }
0x4f: {  	[sflag:s24] =	ssyncset.done $0x0  }
0x50: {  	s20 =	sadd.s32 $0xFFFFF800, s0;
	[sflag:s24] =	ssyncadd.s32 $0xFFFFC000  }
0x51: {  	[hbm4b:s20+s3] =	stream.linear.scatter [tilespmem:s17], [sflag:$0x6], $0x4000, $0x38;
	[tilespmem:$0x1E000] =	vst v63  }
0x52: {  	_ =	swait.ge [sflag:s25], $0x4000  }
0x53: {  	[sflag:s25] =	ssyncset.done $0x0  }
0x54: {  	s20 =	sadd.s32 $0x280, s18;
	[sflag:s25] =	ssyncadd.s32 $0xFFFFC000  }
0x55: {  	[tilespmem:s17], [sflag:$0x2] =	stream.indirect.gather [spmem:s2], $0x80, s20, s15, $0xb8;
	[tilespmem:$0x1E000] =	vst v63  }
0x56: {  	_ =	swait.ge [sflag:s26], $0x4000  }
0x57: {  	[sflag:s26] =	ssyncset.done $0x0  }
0x58: {  	[sflag:s26] =	ssyncadd.s32 $0xFFFFC000  }
0x59: {  	[hbm4b:s0+s3] =	stream.linear.scatter [tilespmem:s19], [sflag:$0x7], $0x4000, $0x38;
	[tilespmem:$0x1E000] =	vst v63  }
0x5a: {  	_ =	swait.ge [sflag:s28], $0x4000  }
0x5b: {  	[sflag:s28] =	ssyncset.done $0x0  }
0x5c: {  	s20 =	sadd.s32 $0x300, s18;
	[sflag:s28] =	ssyncadd.s32 $0xFFFFC000  }
0x5d: {  	[tilespmem:s19], [sflag:$0x3] =	stream.indirect.gather [spmem:s2], $0x80, s20, s15, $0xb8;
	[tilespmem:$0x1E000] =	vst v63  }
0x5e: {  	_ =	swait.ge [sflag:s29], $0x4000  }
0x5f: {  	[sflag:s29] =	ssyncset.done $0x0  }
0x60: {  	s20 =	sadd.s32 $0x800, s0;
	[sflag:s29] =	ssyncadd.s32 $0xFFFFC000  }
0x61: {  	[hbm4b:s20+s3] =	stream.linear.scatter [tilespmem:s21], [sflag:$0x8], $0x4000, $0x38;
	[tilespmem:$0x1E000] =	vst v63  }
0x62: {  	_ =	swait.ge [sflag:s30], $0x4000  }
0x63: {  	[sflag:s30] =	ssyncset.done $0x0  }
.Ltmp0:
0x64: {  	s18 =	sadd.s32 $0x380, s18;
	[sflag:s30] =	ssyncadd.s32 $0xFFFFC000;
	(pc) =	sbr.rel @p0 .LBB2_2-.Ltmp0, $4  }
0x65: {  	[tilespmem:s21], [sflag:$0x4] =	stream.indirect.gather [spmem:s2], $0x80, s18, s15, $0xb8;
	[tilespmem:$0x1E000] =	vst v63  }
0x66: {  	_ =	swait.ge [sflag:s22], $0x4000  }
0x67: {  	[sflag:s22] =	ssyncset.done $0x0  }
0x68: {  	s18 =	sadd.s32 $0x1000, s0;
	s0 =	sadd.s32 $0x2000, s0;
	[sflag:s22] =	ssyncadd.s32 $0xFFFFC000  }
0x69: {  	[hbm4b:s18+s3] =	stream.linear.scatter [tilespmem:s16], [sflag:$0x5], $0x4000, $0x38;
	[tilespmem:$0x1E000] =	vst v63  }
0x6a: {  	_ =	swait.ge [sflag:s24], $0x4000  }
0x6b: {  	[sflag:s24] =	ssyncset.done $0x0  }
0x6c: {  	[sflag:s24] =	ssyncadd.s32 $0xFFFFC000  }
0x6d: {  	[hbm4b:s8+s3] =	stream.linear.scatter [tilespmem:s17], [sflag:$0x6], $0x4000, $0x38;
	[tilespmem:$0x1E000] =	vst v63  }
0x6e: {  	_ =	swait.ge [sflag:s26], $0x4000  }
0x6f: {  	[sflag:s26] =	ssyncset.done $0x0  }
0x70: {  	[sflag:s26] =	ssyncadd.s32 $0xFFFFC000  }
0x71: {  	[hbm4b:s9+s3] =	stream.linear.scatter [tilespmem:s19], [sflag:$0x7], $0x4000, $0x38;
	[tilespmem:$0x1E000] =	vst v63  }
0x72: {  	_ =	swait.ge [sflag:s29], $0x4000  }
0x73: {  	[sflag:s29] =	ssyncset.done $0x0  }
0x74: {  	[sflag:s29] =	ssyncadd.s32 $0xFFFFC000  }
0x75: {  	[hbm4b:s10+s3] =	stream.linear.scatter [tilespmem:s21], [sflag:$0x8], $0x4000, $0x38;
	[tilespmem:$0x1E000] =	vst v63  }
0x76: {  	_ =	swait.ge [sflag:s23], $0x4000  }
0x77: {  	[sflag:s23] =	ssyncset.done $0x0  }
0x78: {  	[sflag:s23] =	ssyncadd.s32 $0xFFFFC000  }
0x79: {  	_ =	swait.ge [sflag:s25], $0x4000  }
0x7a: {  	[sflag:s25] =	ssyncset.done $0x0  }
0x7b: {  	s31 =	sadd.s32 $0x1, s31;
	[sflag:s25] =	ssyncadd.s32 $0xFFFFC000  }
0x7c: {  	p0 =	sne.s32 s31, s11;
	_ =	swait.ge [sflag:s28], $0x4000  }
.Ltmp1:
0x7d: {  	[sflag:s28] =	ssyncset.done $0x0;
	(pc) =	sbr.rel @p0 .LBB2_1-.Ltmp1, $4  }
0x7e: {  	[sflag:s28] =	ssyncadd.s32 $0xFFFFC000  }
0x7f: {  	_ =	swait.ge [sflag:s30], $0x4000  }
0x80: {  	[sflag:s30] =	ssyncset.done $0x0  }
0x81: {  	[sflag:s30] =	ssyncadd.s32 $0xFFFFC000  }
0x82: {  	_ =	sfence.sel $0x180000  }
0x83: {  	[bflag:$0x0] =	sbarrier.arrive $0xFFFF  }
0x84: {  	_ =	strace $0x90000047  }
0x85: {  	s0 =	stileid.u32;
	[bflag:$0x2] =	sbarrier.arrive $0xFFFF  }
0x86: {  	p0 =	sne.s32 s0, $0x0;
	s0 =	rddreg [dreg:$0x3]  }
0x87: {  	s0 =	sadd.s32 @!p0 $0x100000, s0  }
0x88: {  	[sflag:s0] =	ssyncadd.tile.s32 @!p0 $0x1;
	_ =	shalt  }
.Lfunc_end2:
_tile_overlayer_lowered:
.L_overlay_start_2:
0x89: {  	(tag) =	ssettag $0x2  }
0x8a: {  	s0 =	rddreg [dreg:$0x0];
	s2 =	stileid.u32  }
0x8b: {  	s1 =	rddreg [dreg:$0x1];
	p0 =	sne.s32 s2, $0x0  }
0x8c: {  	s3 =	rddreg [dreg:$0x2];
	[bflag:$0x3] =	sbarrier.arrive $0xFFFF;
	s2 =	simm.s32 @!p0 $0x1C09  }
0x8d: {  	[timem:s3], [sflag:s2] =	dma.local @!p0 [hbm:s0], s1  }
0x8e: {  	s0 =	simm.s32 @!p0 $0x9  }
0x8f: {  	_ =	swait.ge @!p0 [sflag:s0], s1  }
0x90: {  	s1 =	ssub.s32 @!p0 $0x0, s1;
	[sflag:s0] =	ssyncset.done @!p0 $0x0  }
0x91: {  	[sflag:s0] =	ssyncadd.s32 @!p0 s1  }
0x92: {  	[bflag:$0x3] =	sbarrier.arrive $0xFFFF  }
0x93: {  	_ =	shalt  }

</sc_bundles>
